<compile_context>
chip_gen: v7x
topology: tpu7x:2x2x1
jax: 0.10.2.dev20260603
libtpu: 0.0.44.dev20260713+nightly
codegen_flags: <defaults>
</compile_context>

<pallas_src>
import functools

import jax
import jax.numpy as jnp
from jax import lax
from jax.experimental import pallas as pl
from jax.experimental.pallas import tpu as pltpu
from jax.experimental.pallas import tpu_sc as plsc

_TOPK = 8


def _gate_body(x_ref, wg_ref, bg_ref, idx_ref, wb_ref):
    x = x_ref[...]
    logits = (
        jnp.dot(x, wg_ref[...], preferred_element_type=jnp.float32)
        + bg_ref[...]
    )
    tb, e_dim = logits.shape
    m = jnp.max(logits, axis=-1, keepdims=True)
    ex = jnp.exp(logits - m)
    w = ex / jnp.sum(ex, axis=-1, keepdims=True)

    iota = lax.broadcasted_iota(jnp.int32, (tb, e_dim), 1)
    t = logits
    neg = jnp.float32(-3.0e38)
    idx_lanes = lax.broadcasted_iota(jnp.int32, (tb, 16), 1)
    idx_out = jnp.zeros((tb, 16), jnp.int32)
    wb = jnp.zeros((tb, 8 * 16), jnp.float32)
    wb_lane = lax.broadcasted_iota(jnp.int32, (tb, 8 * 16), 1) // 16
    for j in range(_TOPK):
        mx = jnp.max(t, axis=-1, keepdims=True)
        amax = jnp.min(jnp.where(t >= mx, iota, e_dim), axis=-1, keepdims=True)
        wj = jnp.sum(jnp.where(iota == amax, w, 0.0), axis=-1, keepdims=True)
        idx_out = jnp.where(idx_lanes == j, amax, idx_out)
        wb = jnp.where(wb_lane == j, wj, wb)
        t = jnp.where(iota == amax, neg, t)
    idx_ref[...] = idx_out
    wb_ref[...] = wb


def _gate(x, Wg, bg):
    b, d = x.shape
    n_exp = Wg.shape[1]
    tb = 512
    return pl.pallas_call(
        _gate_body,
        grid=(b // tb,),
        in_specs=[
            pl.BlockSpec((tb, d), lambda i: (i, 0)),
            pl.BlockSpec((d, n_exp), lambda i: (0, 0)),
            pl.BlockSpec((1, n_exp), lambda i: (0, 0)),
        ],
        out_specs=[
            pl.BlockSpec((tb, 16), lambda i: (i, 0)),
            pl.BlockSpec((tb, 128), lambda i: (i, 0)),
        ],
        out_shape=[
            jax.ShapeDtypeStruct((b, 16), jnp.int32),
            jax.ShapeDtypeStruct((b, 128), jnp.float32),
        ],
    )(x, Wg, bg.reshape(1, n_exp))


def _make_sc_combine(b, d):
    info = plsc.get_sparse_core_info()
    nc, ns = info.num_cores, info.num_subcores
    nw = nc * ns
    ntok = b // nw

    mesh = plsc.VectorSubcoreMesh(core_axis_name="c", subcore_axis_name="s")

    @functools.partial(
        pl.kernel,
        mesh=mesh,
        out_type=jax.ShapeDtypeStruct((b * d,), jnp.float32),
        scratch_types=[
            pltpu.VMEM((ntok * 16,), jnp.int32),
            pltpu.VMEM((ntok * 128,), jnp.float32),
            pltpu.VMEM((_TOPK, d), jnp.float32),
            pltpu.VMEM((d,), jnp.float32),
            pltpu.SemaphoreType.DMA,
        ],
    )
    def sc_combine(idx_hbm, wb_hbm, exp_hbm, out_hbm, idx_v, wb_v, rows_v,
                   out_v, sem):
        wid = lax.axis_index("s") * nc + lax.axis_index("c")
        base = wid * ntok
        pltpu.sync_copy(idx_hbm.at[pl.ds(base * 16, ntok * 16)], idx_v)
        pltpu.sync_copy(wb_hbm.at[pl.ds(base * 128, ntok * 128)], wb_v)

        def token_body(t, carry):
            cp = pltpu.async_copy(
                exp_hbm.at[idx_v.at[pl.ds(t * 16, _TOPK)]], rows_v, sem
            )
            cp.wait()
            wjs = [wb_v[pl.ds(t * 128 + j * 16, 16)] for j in range(_TOPK)]

            def chunk_body(c, carry2):
                acc = wjs[0] * rows_v[0, pl.ds(c * 16, 16)]
                for j in range(1, _TOPK):
                    acc = acc + wjs[j] * rows_v[j, pl.ds(c * 16, 16)]
                out_v[pl.ds(c * 16, 16)] = acc
                return carry2

            lax.fori_loop(0, d // 16, chunk_body, 0, unroll=4)
            pltpu.sync_copy(out_v, out_hbm.at[pl.ds((base + t) * d, d)])
            return carry

        lax.fori_loop(0, ntok, token_body, 0)

    return sc_combine


@jax.jit
def kernel(x, experts, Wg, bg):
    b, d = x.shape
    idx, wb = _gate(x, Wg, bg)
    sc = _make_sc_combine(b, d)
    out = sc(idx.reshape(-1), wb.reshape(-1), experts)
    return out.reshape(b, d)

# --- scband reference (transcript-rebuilt; emitter-appended) ---
"""Pipeline reference for scband-param-to-pmo-e-41721312313660 (READ-ONLY COPY).

The authoritative reference and input builder live on the scoring server;
editing this copy changes nothing except your own understanding.
"""

import jax, jax.numpy as jnp
import numpy as np

NUM_EXPERTS = 64
EXP_DIM = 4096
TOPK = 8
B = 8192

def setup_inputs(seed: int = 0) -> dict:
    key = jax.random.key(seed)
    k1, k2, k3, k4 = jax.random.split(key, 4)
    x = jax.random.normal(k1, (B, EXP_DIM), dtype=jnp.float32)
    # trained_experts: stack of per-expert parameter vectors, each of shape [EXP_DIM]
    experts = jax.random.normal(k2, (NUM_EXPERTS, EXP_DIM), dtype=jnp.float32)
    # Gating network parameters (linear gate: exp_dim -> num_experts, softmax)
    Wg = jax.random.normal(k3, (EXP_DIM, NUM_EXPERTS), dtype=jnp.float32) * (1.0 / np.sqrt(EXP_DIM))
    bg = jnp.zeros((NUM_EXPERTS,), dtype=jnp.float32)
    return {"x": x, "experts": experts, "Wg": Wg, "bg": bg}

def reference(x, experts, Wg, bg):
    # Gating: linear + softmax over experts
    logits = x @ Wg + bg                      # [B, E]
    weights = jax.nn.softmax(logits, axis=-1) # [B, E]
    # top-k expert selection per token (largest=True, sorted=True)
    weights_values, indices = jax.lax.top_k(weights, TOPK)  # [B, k], [B, k]
    # Gather selected expert parameter vectors: experts[indices[i]] stacked per row
    final_results = jnp.take(experts, indices, axis=0)      # [B, k, EXP_DIM]
    # Weighted sum over the k selected experts
    weights_x = weights_values[..., None]                    # [B, k, 1] broadcast
    return jnp.sum(final_results * weights_x, axis=1)        # [B, EXP_DIM]

if __name__ == "__main__":
    import jax
    _d = setup_inputs()
    print(jax.jit(kernel)(*tuple(_d.values())))

</pallas_src>

<mosaic_0001>
#map = affine_map<(d0, d1) -> (0)>
#map1 = affine_map<(d0, d1) -> (0, 0)>
module attributes {stable_mosaic.version = 14 : i64} {
  func.func @sc_combine(%arg0: i32, %arg1: i32, %arg2: memref<131072xi32, #tpu.memory_space<hbm>>, %arg3: memref<1048576xf32, #tpu.memory_space<hbm>>, %arg4: memref<64x4096xf32, #tpu.memory_space<hbm>>, %arg5: memref<33554432xf32, #tpu.memory_space<hbm>>, %arg6: memref<4096xi32, #tpu.memory_space<vmem>>, %arg7: memref<32768xf32, #tpu.memory_space<vmem>>, %arg8: memref<8x4096xf32, #tpu.memory_space<vmem>>, %arg9: memref<4096xf32, #tpu.memory_space<vmem>>, %arg10: memref<!tpu.dma_semaphore, #tpu.memory_space<semaphore_mem>>) attributes {dimension_semantics = [#tpu.dimension_semantics<core_parallel>, #tpu.dimension_semantics<subcore_parallel>], iteration_bounds = array<i64: 2, 16>, scalar_prefetch = 0 : i64, scratch_operands = 5 : i64, tpu.core_type = #tpu.core_type<sc_vector_subcore>, window_params = [{transform_indices = #map}, {transform_indices = #map}, {transform_indices = #map1}, {transform_indices = #map}]} {
    %mul3A = arith.constant 2 : i32
    %mul3A_0 = arith.muli %arg1, %mul3A : i32
    %add3A = arith.addi %mul3A_0, %arg0 : i32
    %mul3A_1 = arith.constant 256 : i32
    %mul3A_2 = arith.muli %add3A, %mul3A_1 : i32
    %mul3A_3 = arith.constant 16 : i32
    %mul3A_4 = arith.muli %mul3A_2, %mul3A_3 : i32
    "tpu.region"() ({
      %run_scoped3A = tpu.sem_alloc : memref<!tpu.dma_semaphore, #tpu.memory_space<semaphore_mem>>
      %dma_start3A = tpu.memref_slice %arg2[%mul3A_4] : memref<131072xi32, #tpu.memory_space<hbm>> -> memref<4096xi32, #tpu.memory_space<hbm>>
      %dma_start3A_12 = tpu.memref_slice %arg2[%mul3A_4] : memref<131072xi32, #tpu.memory_space<hbm>> -> memref<4096xi32, #tpu.memory_space<hbm>>
      tpu.enqueue_dma source(%dma_start3A_12 : memref<4096xi32, #tpu.memory_space<hbm>>) target(%arg6 : memref<4096xi32, #tpu.memory_space<vmem>>) target_semaphore(%run_scoped3A : memref<!tpu.dma_semaphore, #tpu.memory_space<semaphore_mem>>)
      %dma_wait3A = tpu.memref_slice %arg2[%mul3A_4] : memref<131072xi32, #tpu.memory_space<hbm>> -> memref<4096xi32, #tpu.memory_space<hbm>>
      %dma_wait3A_13 = tpu.memref_slice %arg2[%mul3A_4] : memref<131072xi32, #tpu.memory_space<hbm>> -> memref<4096xi32, #tpu.memory_space<hbm>>
      tpu.wait_dma2 semaphore(%run_scoped3A : memref<!tpu.dma_semaphore, #tpu.memory_space<semaphore_mem>>) src(%dma_wait3A_13 : memref<4096xi32, #tpu.memory_space<hbm>>) dst(%arg6 : memref<4096xi32, #tpu.memory_space<vmem>>)
      tpu.yield
    }) : () -> ()
    %mul3A_5 = arith.constant 128 : i32
    %mul3A_6 = arith.muli %mul3A_2, %mul3A_5 : i32
    "tpu.region"() ({
      %run_scoped3A = tpu.sem_alloc : memref<!tpu.dma_semaphore, #tpu.memory_space<semaphore_mem>>
      %dma_start3A = tpu.memref_slice %arg3[%mul3A_6] : memref<1048576xf32, #tpu.memory_space<hbm>> -> memref<32768xf32, #tpu.memory_space<hbm>>
      %dma_start3A_12 = tpu.memref_slice %arg3[%mul3A_6] : memref<1048576xf32, #tpu.memory_space<hbm>> -> memref<32768xf32, #tpu.memory_space<hbm>>
      tpu.enqueue_dma source(%dma_start3A_12 : memref<32768xf32, #tpu.memory_space<hbm>>) target(%arg7 : memref<32768xf32, #tpu.memory_space<vmem>>) target_semaphore(%run_scoped3A : memref<!tpu.dma_semaphore, #tpu.memory_space<semaphore_mem>>)
      %dma_wait3A = tpu.memref_slice %arg3[%mul3A_6] : memref<1048576xf32, #tpu.memory_space<hbm>> -> memref<32768xf32, #tpu.memory_space<hbm>>
      %dma_wait3A_13 = tpu.memref_slice %arg3[%mul3A_6] : memref<1048576xf32, #tpu.memory_space<hbm>> -> memref<32768xf32, #tpu.memory_space<hbm>>
      tpu.wait_dma2 semaphore(%run_scoped3A : memref<!tpu.dma_semaphore, #tpu.memory_space<semaphore_mem>>) src(%dma_wait3A_13 : memref<32768xf32, #tpu.memory_space<hbm>>) dst(%arg7 : memref<32768xf32, #tpu.memory_space<vmem>>)
      tpu.yield
    }) : () -> ()
    %scan3A = arith.constant 0 : i32
    %scan3A_7 = arith.constant 0 : i32
    %scan3A_8 = arith.constant 256 : i32
    %scan3A_9 = arith.addi %scan3A_7, %scan3A_8 : i32
    %scan3A_10 = arith.constant 1 : i32
    scf.for %scan3A_12 = %scan3A_7 to %scan3A_9 step %scan3A_10  : i32 {
      %mul3A_13 = arith.constant 16 : i32
      %mul3A_14 = arith.muli %scan3A_12, %mul3A_13 : i32
      %dma_start3A = tpu.memref_slice %arg6[%mul3A_14] : memref<4096xi32, #tpu.memory_space<vmem>> -> memref<8xi32, #tpu.memory_space<vmem>>
      %dma_start3A_15 = arith.constant 0 : i32
      %dma_start3A_16 = arith.constant 0 : i32
      %dma_start3A_17 = tpu.memref_slice %arg4[%dma_start3A_15, %dma_start3A_16] : memref<64x4096xf32, #tpu.memory_space<hbm>> -> memref<64x4096xf32, #tpu.memory_space<hbm>>
      tpu.enqueue_indirect_dma source(%dma_start3A_17 : memref<64x4096xf32, #tpu.memory_space<hbm>>) target(%arg8 : memref<8x4096xf32, #tpu.memory_space<vmem>>) offsets(%dma_start3A : memref<8xi32, #tpu.memory_space<vmem>>) semaphore(%arg10 : memref<!tpu.dma_semaphore, #tpu.memory_space<semaphore_mem>>)
      %dma_wait3A = tpu.memref_slice %arg6[%mul3A_14] : memref<4096xi32, #tpu.memory_space<vmem>> -> memref<8xi32, #tpu.memory_space<vmem>>
      %dma_wait3A_18 = arith.constant 0 : i32
      %dma_wait3A_19 = arith.constant 0 : i32
      %dma_wait3A_20 = tpu.memref_slice %arg4[%dma_wait3A_18, %dma_wait3A_19] : memref<64x4096xf32, #tpu.memory_space<hbm>> -> memref<64x4096xf32, #tpu.memory_space<hbm>>
      tpu.wait_indirect_dma semaphore(%arg10 : memref<!tpu.dma_semaphore, #tpu.memory_space<semaphore_mem>>) src(%dma_wait3A_20 : memref<64x4096xf32, #tpu.memory_space<hbm>>) dst(%arg8 : memref<8x4096xf32, #tpu.memory_space<vmem>>)
      %mul3A_21 = arith.constant 128 : i32
      %mul3A_22 = arith.muli %scan3A_12, %mul3A_21 : i32
      %add3A_23 = arith.constant 0 : i32
      %add3A_24 = arith.addi %mul3A_22, %add3A_23 : i32
      %get3A = arith.index_cast %add3A_24 : i32 to index
      %get3A_25 = tpu.vector_load %arg7[%get3A] {strides = array<i32>} : memref<32768xf32, #tpu.memory_space<vmem>>, vector<16xf32>,
      %get3A_26 = vector.shape_cast %get3A_25 : vector<16xf32> to vector<16xf32>
      %mul3A_27 = arith.constant 128 : i32
      %mul3A_28 = arith.muli %scan3A_12, %mul3A_27 : i32
      %add3A_29 = arith.constant 16 : i32
      %add3A_30 = arith.addi %mul3A_28, %add3A_29 : i32
      %get3A_31 = arith.index_cast %add3A_30 : i32 to index
      %get3A_32 = tpu.vector_load %arg7[%get3A_31] {strides = array<i32>} : memref<32768xf32, #tpu.memory_space<vmem>>, vector<16xf32>,
      %get3A_33 = vector.shape_cast %get3A_32 : vector<16xf32> to vector<16xf32>
      %mul3A_34 = arith.constant 128 : i32
      %mul3A_35 = arith.muli %scan3A_12, %mul3A_34 : i32
      %add3A_36 = arith.constant 32 : i32
      %add3A_37 = arith.addi %mul3A_35, %add3A_36 : i32
      %get3A_38 = arith.index_cast %add3A_37 : i32 to index
      %get3A_39 = tpu.vector_load %arg7[%get3A_38] {strides = array<i32>} : memref<32768xf32, #tpu.memory_space<vmem>>, vector<16xf32>,
      %get3A_40 = vector.shape_cast %get3A_39 : vector<16xf32> to vector<16xf32>
      %mul3A_41 = arith.constant 128 : i32
      %mul3A_42 = arith.muli %scan3A_12, %mul3A_41 : i32
      %add3A_43 = arith.constant 48 : i32
      %add3A_44 = arith.addi %mul3A_42, %add3A_43 : i32
      %get3A_45 = arith.index_cast %add3A_44 : i32 to index
      %get3A_46 = tpu.vector_load %arg7[%get3A_45] {strides = array<i32>} : memref<32768xf32, #tpu.memory_space<vmem>>, vector<16xf32>,
      %get3A_47 = vector.shape_cast %get3A_46 : vector<16xf32> to vector<16xf32>
      %mul3A_48 = arith.constant 128 : i32
      %mul3A_49 = arith.muli %scan3A_12, %mul3A_48 : i32
      %add3A_50 = arith.constant 64 : i32
      %add3A_51 = arith.addi %mul3A_49, %add3A_50 : i32
      %get3A_52 = arith.index_cast %add3A_51 : i32 to index
      %get3A_53 = tpu.vector_load %arg7[%get3A_52] {strides = array<i32>} : memref<32768xf32, #tpu.memory_space<vmem>>, vector<16xf32>,
      %get3A_54 = vector.shape_cast %get3A_53 : vector<16xf32> to vector<16xf32>
      %mul3A_55 = arith.constant 128 : i32
      %mul3A_56 = arith.muli %scan3A_12, %mul3A_55 : i32
      %add3A_57 = arith.constant 80 : i32
      %add3A_58 = arith.addi %mul3A_56, %add3A_57 : i32
      %get3A_59 = arith.index_cast %add3A_58 : i32 to index
      %get3A_60 = tpu.vector_load %arg7[%get3A_59] {strides = array<i32>} : memref<32768xf32, #tpu.memory_space<vmem>>, vector<16xf32>,
      %get3A_61 = vector.shape_cast %get3A_60 : vector<16xf32> to vector<16xf32>
      %mul3A_62 = arith.constant 128 : i32
      %mul3A_63 = arith.muli %scan3A_12, %mul3A_62 : i32
      %add3A_64 = arith.constant 96 : i32
      %add3A_65 = arith.addi %mul3A_63, %add3A_64 : i32
      %get3A_66 = arith.index_cast %add3A_65 : i32 to index
      %get3A_67 = tpu.vector_load %arg7[%get3A_66] {strides = array<i32>} : memref<32768xf32, #tpu.memory_space<vmem>>, vector<16xf32>,
      %get3A_68 = vector.shape_cast %get3A_67 : vector<16xf32> to vector<16xf32>
      %mul3A_69 = arith.constant 128 : i32
      %mul3A_70 = arith.muli %scan3A_12, %mul3A_69 : i32
      %add3A_71 = arith.constant 112 : i32
      %add3A_72 = arith.addi %mul3A_70, %add3A_71 : i32
      %get3A_73 = arith.index_cast %add3A_72 : i32 to index
      %get3A_74 = tpu.vector_load %arg7[%get3A_73] {strides = array<i32>} : memref<32768xf32, #tpu.memory_space<vmem>>, vector<16xf32>,
      %get3A_75 = vector.shape_cast %get3A_74 : vector<16xf32> to vector<16xf32>
      %scan3A_76 = arith.constant 0 : i32
      %scan3A_77 = arith.constant 0 : i32
      %scan3A_78 = arith.constant 256 : i32
      %scan3A_79 = arith.addi %scan3A_77, %scan3A_78 : i32
      %scan3A_80 = arith.constant 4 : i32
      scf.for %scan3A_85 = %scan3A_77 to %scan3A_79 step %scan3A_80  : i32 {
        %mul3A_86 = arith.constant 16 : i32
        %mul3A_87 = arith.muli %scan3A_85, %mul3A_86 : i32
        %get3A_88 = arith.constant 0 : i32
        %get3A_89 = arith.index_cast %get3A_88 : i32 to index
        %get3A_90 = arith.index_cast %mul3A_87 : i32 to index
        %get3A_91 = tpu.vector_load %arg8[%get3A_89, %get3A_90] {strides = array<i32>} : memref<8x4096xf32, #tpu.memory_space<vmem>>, vector<1x16xf32>,
        %get3A_92 = vector.shape_cast %get3A_91 : vector<1x16xf32> to vector<16xf32>
        %mul3A_93 = arith.mulf %get3A_26, %get3A_92 : vector<16xf32>
        %mul3A_94 = arith.constant 16 : i32
        %mul3A_95 = arith.muli %scan3A_85, %mul3A_94 : i32
        %get3A_96 = arith.constant 1 : i32
        %get3A_97 = arith.index_cast %get3A_96 : i32 to index
        %get3A_98 = arith.index_cast %mul3A_95 : i32 to index
        %get3A_99 = tpu.vector_load %arg8[%get3A_97, %get3A_98] {strides = array<i32>} : memref<8x4096xf32, #tpu.memory_space<vmem>>, vector<1x16xf32>,
        %get3A_100 = vector.shape_cast %get3A_99 : vector<1x16xf32> to vector<16xf32>
        %mul3A_101 = arith.mulf %get3A_33, %get3A_100 : vector<16xf32>
        %add3A_102 = arith.addf %mul3A_93, %mul3A_101 : vector<16xf32>
        %mul3A_103 = arith.constant 16 : i32
        %mul3A_104 = arith.muli %scan3A_85, %mul3A_103 : i32
        %get3A_105 = arith.constant 2 : i32
        %get3A_106 = arith.index_cast %get3A_105 : i32 to index
        %get3A_107 = arith.index_cast %mul3A_104 : i32 to index
        %get3A_108 = tpu.vector_load %arg8[%get3A_106, %get3A_107] {strides = array<i32>} : memref<8x4096xf32, #tpu.memory_space<vmem>>, vector<1x16xf32>,
        %get3A_109 = vector.shape_cast %get3A_108 : vector<1x16xf32> to vector<16xf32>
        %mul3A_110 = arith.mulf %get3A_40, %get3A_109 : vector<16xf32>
        %add3A_111 = arith.addf %add3A_102, %mul3A_110 : vector<16xf32>
        %mul3A_112 = arith.constant 16 : i32
        %mul3A_113 = arith.muli %scan3A_85, %mul3A_112 : i32
        %get3A_114 = arith.constant 3 : i32
        %get3A_115 = arith.index_cast %get3A_114 : i32 to index
        %get3A_116 = arith.index_cast %mul3A_113 : i32 to index
        %get3A_117 = tpu.vector_load %arg8[%get3A_115, %get3A_116] {strides = array<i32>} : memref<8x4096xf32, #tpu.memory_space<vmem>>, vector<1x16xf32>,
        %get3A_118 = vector.shape_cast %get3A_117 : vector<1x16xf32> to vector<16xf32>
        %mul3A_119 = arith.mulf %get3A_47, %get3A_118 : vector<16xf32>
        %add3A_120 = arith.addf %add3A_111, %mul3A_119 : vector<16xf32>
        %mul3A_121 = arith.constant 16 : i32
        %mul3A_122 = arith.muli %scan3A_85, %mul3A_121 : i32
        %get3A_123 = arith.constant 4 : i32
        %get3A_124 = arith.index_cast %get3A_123 : i32 to index
        %get3A_125 = arith.index_cast %mul3A_122 : i32 to index
        %get3A_126 = tpu.vector_load %arg8[%get3A_124, %get3A_125] {strides = array<i32>} : memref<8x4096xf32, #tpu.memory_space<vmem>>, vector<1x16xf32>,
        %get3A_127 = vector.shape_cast %get3A_126 : vector<1x16xf32> to vector<16xf32>
        %mul3A_128 = arith.mulf %get3A_54, %get3A_127 : vector<16xf32>
        %add3A_129 = arith.addf %add3A_120, %mul3A_128 : vector<16xf32>
        %mul3A_130 = arith.constant 16 : i32
        %mul3A_131 = arith.muli %scan3A_85, %mul3A_130 : i32
        %get3A_132 = arith.constant 5 : i32
        %get3A_133 = arith.index_cast %get3A_132 : i32 to index
        %get3A_134 = arith.index_cast %mul3A_131 : i32 to index
        %get3A_135 = tpu.vector_load %arg8[%get3A_133, %get3A_134] {strides = array<i32>} : memref<8x4096xf32, #tpu.memory_space<vmem>>, vector<1x16xf32>,
        %get3A_136 = vector.shape_cast %get3A_135 : vector<1x16xf32> to vector<16xf32>
        %mul3A_137 = arith.mulf %get3A_61, %get3A_136 : vector<16xf32>
        %add3A_138 = arith.addf %add3A_129, %mul3A_137 : vector<16xf32>
        %mul3A_139 = arith.constant 16 : i32
        %mul3A_140 = arith.muli %scan3A_85, %mul3A_139 : i32
        %get3A_141 = arith.constant 6 : i32
        %get3A_142 = arith.index_cast %get3A_141 : i32 to index
        %get3A_143 = arith.index_cast %mul3A_140 : i32 to index
        %get3A_144 = tpu.vector_load %arg8[%get3A_142, %get3A_143] {strides = array<i32>} : memref<8x4096xf32, #tpu.memory_space<vmem>>, vector<1x16xf32>,
        %get3A_145 = vector.shape_cast %get3A_144 : vector<1x16xf32> to vector<16xf32>
        %mul3A_146 = arith.mulf %get3A_68, %get3A_145 : vector<16xf32>
        %add3A_147 = arith.addf %add3A_138, %mul3A_146 : vector<16xf32>
        %mul3A_148 = arith.constant 16 : i32
        %mul3A_149 = arith.muli %scan3A_85, %mul3A_148 : i32
        %get3A_150 = arith.constant 7 : i32
        %get3A_151 = arith.index_cast %get3A_150 : i32 to index
        %get3A_152 = arith.index_cast %mul3A_149 : i32 to index
        %get3A_153 = tpu.vector_load %arg8[%get3A_151, %get3A_152] {strides = array<i32>} : memref<8x4096xf32, #tpu.memory_space<vmem>>, vector<1x16xf32>,
        %get3A_154 = vector.shape_cast %get3A_153 : vector<1x16xf32> to vector<16xf32>
        %mul3A_155 = arith.mulf %get3A_75, %get3A_154 : vector<16xf32>
        %add3A_156 = arith.addf %add3A_147, %mul3A_155 : vector<16xf32>
        %mul3A_157 = arith.constant 16 : i32
        %mul3A_158 = arith.muli %scan3A_85, %mul3A_157 : i32
        %swap3A = arith.index_cast %mul3A_158 : i32 to index
        %swap3A_159 = tpu.vector_load %arg9[%swap3A] {strides = array<i32>} : memref<4096xf32, #tpu.memory_space<vmem>>, vector<16xf32>,
        %swap3A_160 = vector.shape_cast %swap3A_159 : vector<16xf32> to vector<16xf32>
        %swap3A_161 = vector.shape_cast %add3A_156 : vector<16xf32> to vector<16xf32>
        tpu.vector_store %arg9[%swap3A], %swap3A_161 {strides = array<i32>} : memref<4096xf32, #tpu.memory_space<vmem>>, vector<16xf32>,
        %scan3A_162 = arith.constant 1 : i32
        %scan3A_163 = arith.addi %scan3A_85, %scan3A_162 : i32
        %mul3A_164 = arith.constant 16 : i32
        %mul3A_165 = arith.muli %scan3A_163, %mul3A_164 : i32
        %get3A_166 = arith.constant 0 : i32
        %get3A_167 = arith.index_cast %get3A_166 : i32 to index
        %get3A_168 = arith.index_cast %mul3A_165 : i32 to index
        %get3A_169 = tpu.vector_load %arg8[%get3A_167, %get3A_168] {strides = array<i32>} : memref<8x4096xf32, #tpu.memory_space<vmem>>, vector<1x16xf32>,
        %get3A_170 = vector.shape_cast %get3A_169 : vector<1x16xf32> to vector<16xf32>
        %mul3A_171 = arith.mulf %get3A_26, %get3A_170 : vector<16xf32>
        %mul3A_172 = arith.constant 16 : i32
        %mul3A_173 = arith.muli %scan3A_163, %mul3A_172 : i32
        %get3A_174 = arith.constant 1 : i32
        %get3A_175 = arith.index_cast %get3A_174 : i32 to index
        %get3A_176 = arith.index_cast %mul3A_173 : i32 to index
        %get3A_177 = tpu.vector_load %arg8[%get3A_175, %get3A_176] {strides = array<i32>} : memref<8x4096xf32, #tpu.memory_space<vmem>>, vector<1x16xf32>,
        %get3A_178 = vector.shape_cast %get3A_177 : vector<1x16xf32> to vector<16xf32>
        %mul3A_179 = arith.mulf %get3A_33, %get3A_178 : vector<16xf32>
        %add3A_180 = arith.addf %mul3A_171, %mul3A_179 : vector<16xf32>
        %mul3A_181 = arith.constant 16 : i32
        %mul3A_182 = arith.muli %scan3A_163, %mul3A_181 : i32
        %get3A_183 = arith.constant 2 : i32
        %get3A_184 = arith.index_cast %get3A_183 : i32 to index
        %get3A_185 = arith.index_cast %mul3A_182 : i32 to index
        %get3A_186 = tpu.vector_load %arg8[%get3A_184, %get3A_185] {strides = array<i32>} : memref<8x4096xf32, #tpu.memory_space<vmem>>, vector<1x16xf32>,
        %get3A_187 = vector.shape_cast %get3A_186 : vector<1x16xf32> to vector<16xf32>
        %mul3A_188 = arith.mulf %get3A_40, %get3A_187 : vector<16xf32>
        %add3A_189 = arith.addf %add3A_180, %mul3A_188 : vector<16xf32>
        %mul3A_190 = arith.constant 16 : i32
        %mul3A_191 = arith.muli %scan3A_163, %mul3A_190 : i32
        %get3A_192 = arith.constant 3 : i32
        %get3A_193 = arith.index_cast %get3A_192 : i32 to index
        %get3A_194 = arith.index_cast %mul3A_191 : i32 to index
        %get3A_195 = tpu.vector_load %arg8[%get3A_193, %get3A_194] {strides = array<i32>} : memref<8x4096xf32, #tpu.memory_space<vmem>>, vector<1x16xf32>,
        %get3A_196 = vector.shape_cast %get3A_195 : vector<1x16xf32> to vector<16xf32>
        %mul3A_197 = arith.mulf %get3A_47, %get3A_196 : vector<16xf32>
        %add3A_198 = arith.addf %add3A_189, %mul3A_197 : vector<16xf32>
        %mul3A_199 = arith.constant 16 : i32
        %mul3A_200 = arith.muli %scan3A_163, %mul3A_199 : i32
        %get3A_201 = arith.constant 4 : i32
        %get3A_202 = arith.index_cast %get3A_201 : i32 to index
        %get3A_203 = arith.index_cast %mul3A_200 : i32 to index
        %get3A_204 = tpu.vector_load %arg8[%get3A_202, %get3A_203] {strides = array<i32>} : memref<8x4096xf32, #tpu.memory_space<vmem>>, vector<1x16xf32>,
        %get3A_205 = vector.shape_cast %get3A_204 : vector<1x16xf32> to vector<16xf32>
        %mul3A_206 = arith.mulf %get3A_54, %get3A_205 : vector<16xf32>
        %add3A_207 = arith.addf %add3A_198, %mul3A_206 : vector<16xf32>
        %mul3A_208 = arith.constant 16 : i32
        %mul3A_209 = arith.muli %scan3A_163, %mul3A_208 : i32
        %get3A_210 = arith.constant 5 : i32
        %get3A_211 = arith.index_cast %get3A_210 : i32 to index
        %get3A_212 = arith.index_cast %mul3A_209 : i32 to index
        %get3A_213 = tpu.vector_load %arg8[%get3A_211, %get3A_212] {strides = array<i32>} : memref<8x4096xf32, #tpu.memory_space<vmem>>, vector<1x16xf32>,
        %get3A_214 = vector.shape_cast %get3A_213 : vector<1x16xf32> to vector<16xf32>
        %mul3A_215 = arith.mulf %get3A_61, %get3A_214 : vector<16xf32>
        %add3A_216 = arith.addf %add3A_207, %mul3A_215 : vector<16xf32>
        %mul3A_217 = arith.constant 16 : i32
        %mul3A_218 = arith.muli %scan3A_163, %mul3A_217 : i32
        %get3A_219 = arith.constant 6 : i32
        %get3A_220 = arith.index_cast %get3A_219 : i32 to index
        %get3A_221 = arith.index_cast %mul3A_218 : i32 to index
        %get3A_222 = tpu.vector_load %arg8[%get3A_220, %get3A_221] {strides = array<i32>} : memref<8x4096xf32, #tpu.memory_space<vmem>>, vector<1x16xf32>,
        %get3A_223 = vector.shape_cast %get3A_222 : vector<1x16xf32> to vector<16xf32>
        %mul3A_224 = arith.mulf %get3A_68, %get3A_223 : vector<16xf32>
        %add3A_225 = arith.addf %add3A_216, %mul3A_224 : vector<16xf32>
        %mul3A_226 = arith.constant 16 : i32
        %mul3A_227 = arith.muli %scan3A_163, %mul3A_226 : i32
        %get3A_228 = arith.constant 7 : i32
        %get3A_229 = arith.index_cast %get3A_228 : i32 to index
        %get3A_230 = arith.index_cast %mul3A_227 : i32 to index
        %get3A_231 = tpu.vector_load %arg8[%get3A_229, %get3A_230] {strides = array<i32>} : memref<8x4096xf32, #tpu.memory_space<vmem>>, vector<1x16xf32>,
        %get3A_232 = vector.shape_cast %get3A_231 : vector<1x16xf32> to vector<16xf32>
        %mul3A_233 = arith.mulf %get3A_75, %get3A_232 : vector<16xf32>
        %add3A_234 = arith.addf %add3A_225, %mul3A_233 : vector<16xf32>
        %mul3A_235 = arith.constant 16 : i32
        %mul3A_236 = arith.muli %scan3A_163, %mul3A_235 : i32
        %swap3A_237 = arith.index_cast %mul3A_236 : i32 to index
        %swap3A_238 = tpu.vector_load %arg9[%swap3A_237] {strides = array<i32>} : memref<4096xf32, #tpu.memory_space<vmem>>, vector<16xf32>,
        %swap3A_239 = vector.shape_cast %swap3A_238 : vector<16xf32> to vector<16xf32>
        %swap3A_240 = vector.shape_cast %add3A_234 : vector<16xf32> to vector<16xf32>
        tpu.vector_store %arg9[%swap3A_237], %swap3A_240 {strides = array<i32>} : memref<4096xf32, #tpu.memory_space<vmem>>, vector<16xf32>,
        %scan3A_241 = arith.constant 2 : i32
        %scan3A_242 = arith.addi %scan3A_85, %scan3A_241 : i32
        %mul3A_243 = arith.constant 16 : i32
        %mul3A_244 = arith.muli %scan3A_242, %mul3A_243 : i32
        %get3A_245 = arith.constant 0 : i32
        %get3A_246 = arith.index_cast %get3A_245 : i32 to index
        %get3A_247 = arith.index_cast %mul3A_244 : i32 to index
        %get3A_248 = tpu.vector_load %arg8[%get3A_246, %get3A_247] {strides = array<i32>} : memref<8x4096xf32, #tpu.memory_space<vmem>>, vector<1x16xf32>,
        %get3A_249 = vector.shape_cast %get3A_248 : vector<1x16xf32> to vector<16xf32>
        %mul3A_250 = arith.mulf %get3A_26, %get3A_249 : vector<16xf32>
        %mul3A_251 = arith.constant 16 : i32
        %mul3A_252 = arith.muli %scan3A_242, %mul3A_251 : i32
        %get3A_253 = arith.constant 1 : i32
        %get3A_254 = arith.index_cast %get3A_253 : i32 to index
        %get3A_255 = arith.index_cast %mul3A_252 : i32 to index
        %get3A_256 = tpu.vector_load %arg8[%get3A_254, %get3A_255] {strides = array<i32>} : memref<8x4096xf32, #tpu.memory_space<vmem>>, vector<1x16xf32>,
        %get3A_257 = vector.shape_cast %get3A_256 : vector<1x16xf32> to vector<16xf32>
        %mul3A_258 = arith.mulf %get3A_33, %get3A_257 : vector<16xf32>
        %add3A_259 = arith.addf %mul3A_250, %mul3A_258 : vector<16xf32>
        %mul3A_260 = arith.constant 16 : i32
        %mul3A_261 = arith.muli %scan3A_242, %mul3A_260 : i32
        %get3A_262 = arith.constant 2 : i32
        %get3A_263 = arith.index_cast %get3A_262 : i32 to index
        %get3A_264 = arith.index_cast %mul3A_261 : i32 to index
        %get3A_265 = tpu.vector_load %arg8[%get3A_263, %get3A_264] {strides = array<i32>} : memref<8x4096xf32, #tpu.memory_space<vmem>>, vector<1x16xf32>,
        %get3A_266 = vector.shape_cast %get3A_265 : vector<1x16xf32> to vector<16xf32>
        %mul3A_267 = arith.mulf %get3A_40, %get3A_266 : vector<16xf32>
        %add3A_268 = arith.addf %add3A_259, %mul3A_267 : vector<16xf32>
        %mul3A_269 = arith.constant 16 : i32
        %mul3A_270 = arith.muli %scan3A_242, %mul3A_269 : i32
        %get3A_271 = arith.constant 3 : i32
        %get3A_272 = arith.index_cast %get3A_271 : i32 to index
        %get3A_273 = arith.index_cast %mul3A_270 : i32 to index
        %get3A_274 = tpu.vector_load %arg8[%get3A_272, %get3A_273] {strides = array<i32>} : memref<8x4096xf32, #tpu.memory_space<vmem>>, vector<1x16xf32>,
        %get3A_275 = vector.shape_cast %get3A_274 : vector<1x16xf32> to vector<16xf32>
        %mul3A_276 = arith.mulf %get3A_47, %get3A_275 : vector<16xf32>
        %add3A_277 = arith.addf %add3A_268, %mul3A_276 : vector<16xf32>
        %mul3A_278 = arith.constant 16 : i32
        %mul3A_279 = arith.muli %scan3A_242, %mul3A_278 : i32
        %get3A_280 = arith.constant 4 : i32
        %get3A_281 = arith.index_cast %get3A_280 : i32 to index
        %get3A_282 = arith.index_cast %mul3A_279 : i32 to index
        %get3A_283 = tpu.vector_load %arg8[%get3A_281, %get3A_282] {strides = array<i32>} : memref<8x4096xf32, #tpu.memory_space<vmem>>, vector<1x16xf32>,
        %get3A_284 = vector.shape_cast %get3A_283 : vector<1x16xf32> to vector<16xf32>
        %mul3A_285 = arith.mulf %get3A_54, %get3A_284 : vector<16xf32>
        %add3A_286 = arith.addf %add3A_277, %mul3A_285 : vector<16xf32>
        %mul3A_287 = arith.constant 16 : i32
        %mul3A_288 = arith.muli %scan3A_242, %mul3A_287 : i32
        %get3A_289 = arith.constant 5 : i32
        %get3A_290 = arith.index_cast %get3A_289 : i32 to index
        %get3A_291 = arith.index_cast %mul3A_288 : i32 to index
        %get3A_292 = tpu.vector_load %arg8[%get3A_290, %get3A_291] {strides = array<i32>} : memref<8x4096xf32, #tpu.memory_space<vmem>>, vector<1x16xf32>,
        %get3A_293 = vector.shape_cast %get3A_292 : vector<1x16xf32> to vector<16xf32>
        %mul3A_294 = arith.mulf %get3A_61, %get3A_293 : vector<16xf32>
        %add3A_295 = arith.addf %add3A_286, %mul3A_294 : vector<16xf32>
        %mul3A_296 = arith.constant 16 : i32
        %mul3A_297 = arith.muli %scan3A_242, %mul3A_296 : i32
        %get3A_298 = arith.constant 6 : i32
        %get3A_299 = arith.index_cast %get3A_298 : i32 to index
        %get3A_300 = arith.index_cast %mul3A_297 : i32 to index
        %get3A_301 = tpu.vector_load %arg8[%get3A_299, %get3A_300] {strides = array<i32>} : memref<8x4096xf32, #tpu.memory_space<vmem>>, vector<1x16xf32>,
        %get3A_302 = vector.shape_cast %get3A_301 : vector<1x16xf32> to vector<16xf32>
        %mul3A_303 = arith.mulf %get3A_68, %get3A_302 : vector<16xf32>
        %add3A_304 = arith.addf %add3A_295, %mul3A_303 : vector<16xf32>
        %mul3A_305 = arith.constant 16 : i32
        %mul3A_306 = arith.muli %scan3A_242, %mul3A_305 : i32
        %get3A_307 = arith.constant 7 : i32
        %get3A_308 = arith.index_cast %get3A_307 : i32 to index
        %get3A_309 = arith.index_cast %mul3A_306 : i32 to index
        %get3A_310 = tpu.vector_load %arg8[%get3A_308, %get3A_309] {strides = array<i32>} : memref<8x4096xf32, #tpu.memory_space<vmem>>, vector<1x16xf32>,
        %get3A_311 = vector.shape_cast %get3A_310 : vector<1x16xf32> to vector<16xf32>
        %mul3A_312 = arith.mulf %get3A_75, %get3A_311 : vector<16xf32>
        %add3A_313 = arith.addf %add3A_304, %mul3A_312 : vector<16xf32>
        %mul3A_314 = arith.constant 16 : i32
        %mul3A_315 = arith.muli %scan3A_242, %mul3A_314 : i32
        %swap3A_316 = arith.index_cast %mul3A_315 : i32 to index
        %swap3A_317 = tpu.vector_load %arg9[%swap3A_316] {strides = array<i32>} : memref<4096xf32, #tpu.memory_space<vmem>>, vector<16xf32>,
        %swap3A_318 = vector.shape_cast %swap3A_317 : vector<16xf32> to vector<16xf32>
        %swap3A_319 = vector.shape_cast %add3A_313 : vector<16xf32> to vector<16xf32>
        tpu.vector_store %arg9[%swap3A_316], %swap3A_319 {strides = array<i32>} : memref<4096xf32, #tpu.memory_space<vmem>>, vector<16xf32>,
        %scan3A_320 = arith.constant 3 : i32
        %scan3A_321 = arith.addi %scan3A_85, %scan3A_320 : i32
        %mul3A_322 = arith.constant 16 : i32
        %mul3A_323 = arith.muli %scan3A_321, %mul3A_322 : i32
        %get3A_324 = arith.constant 0 : i32
        %get3A_325 = arith.index_cast %get3A_324 : i32 to index
        %get3A_326 = arith.index_cast %mul3A_323 : i32 to index
        %get3A_327 = tpu.vector_load %arg8[%get3A_325, %get3A_326] {strides = array<i32>} : memref<8x4096xf32, #tpu.memory_space<vmem>>, vector<1x16xf32>,
        %get3A_328 = vector.shape_cast %get3A_327 : vector<1x16xf32> to vector<16xf32>
        %mul3A_329 = arith.mulf %get3A_26, %get3A_328 : vector<16xf32>
        %mul3A_330 = arith.constant 16 : i32
        %mul3A_331 = arith.muli %scan3A_321, %mul3A_330 : i32
        %get3A_332 = arith.constant 1 : i32
        %get3A_333 = arith.index_cast %get3A_332 : i32 to index
        %get3A_334 = arith.index_cast %mul3A_331 : i32 to index
        %get3A_335 = tpu.vector_load %arg8[%get3A_333, %get3A_334] {strides = array<i32>} : memref<8x4096xf32, #tpu.memory_space<vmem>>, vector<1x16xf32>,
        %get3A_336 = vector.shape_cast %get3A_335 : vector<1x16xf32> to vector<16xf32>
        %mul3A_337 = arith.mulf %get3A_33, %get3A_336 : vector<16xf32>
        %add3A_338 = arith.addf %mul3A_329, %mul3A_337 : vector<16xf32>
        %mul3A_339 = arith.constant 16 : i32
        %mul3A_340 = arith.muli %scan3A_321, %mul3A_339 : i32
        %get3A_341 = arith.constant 2 : i32
        %get3A_342 = arith.index_cast %get3A_341 : i32 to index
        %get3A_343 = arith.index_cast %mul3A_340 : i32 to index
        %get3A_344 = tpu.vector_load %arg8[%get3A_342, %get3A_343] {strides = array<i32>} : memref<8x4096xf32, #tpu.memory_space<vmem>>, vector<1x16xf32>,
        %get3A_345 = vector.shape_cast %get3A_344 : vector<1x16xf32> to vector<16xf32>
        %mul3A_346 = arith.mulf %get3A_40, %get3A_345 : vector<16xf32>
        %add3A_347 = arith.addf %add3A_338, %mul3A_346 : vector<16xf32>
        %mul3A_348 = arith.constant 16 : i32
        %mul3A_349 = arith.muli %scan3A_321, %mul3A_348 : i32
        %get3A_350 = arith.constant 3 : i32
        %get3A_351 = arith.index_cast %get3A_350 : i32 to index
        %get3A_352 = arith.index_cast %mul3A_349 : i32 to index
        %get3A_353 = tpu.vector_load %arg8[%get3A_351, %get3A_352] {strides = array<i32>} : memref<8x4096xf32, #tpu.memory_space<vmem>>, vector<1x16xf32>,
        %get3A_354 = vector.shape_cast %get3A_353 : vector<1x16xf32> to vector<16xf32>
        %mul3A_355 = arith.mulf %get3A_47, %get3A_354 : vector<16xf32>
        %add3A_356 = arith.addf %add3A_347, %mul3A_355 : vector<16xf32>
        %mul3A_357 = arith.constant 16 : i32
        %mul3A_358 = arith.muli %scan3A_321, %mul3A_357 : i32
        %get3A_359 = arith.constant 4 : i32
        %get3A_360 = arith.index_cast %get3A_359 : i32 to index
        %get3A_361 = arith.index_cast %mul3A_358 : i32 to index
        %get3A_362 = tpu.vector_load %arg8[%get3A_360, %get3A_361] {strides = array<i32>} : memref<8x4096xf32, #tpu.memory_space<vmem>>, vector<1x16xf32>,
        %get3A_363 = vector.shape_cast %get3A_362 : vector<1x16xf32> to vector<16xf32>
        %mul3A_364 = arith.mulf %get3A_54, %get3A_363 : vector<16xf32>
        %add3A_365 = arith.addf %add3A_356, %mul3A_364 : vector<16xf32>
        %mul3A_366 = arith.constant 16 : i32
        %mul3A_367 = arith.muli %scan3A_321, %mul3A_366 : i32
        %get3A_368 = arith.constant 5 : i32
        %get3A_369 = arith.index_cast %get3A_368 : i32 to index
        %get3A_370 = arith.index_cast %mul3A_367 : i32 to index
        %get3A_371 = tpu.vector_load %arg8[%get3A_369, %get3A_370] {strides = array<i32>} : memref<8x4096xf32, #tpu.memory_space<vmem>>, vector<1x16xf32>,
        %get3A_372 = vector.shape_cast %get3A_371 : vector<1x16xf32> to vector<16xf32>
        %mul3A_373 = arith.mulf %get3A_61, %get3A_372 : vector<16xf32>
        %add3A_374 = arith.addf %add3A_365, %mul3A_373 : vector<16xf32>
        %mul3A_375 = arith.constant 16 : i32
        %mul3A_376 = arith.muli %scan3A_321, %mul3A_375 : i32
        %get3A_377 = arith.constant 6 : i32
        %get3A_378 = arith.index_cast %get3A_377 : i32 to index
        %get3A_379 = arith.index_cast %mul3A_376 : i32 to index
        %get3A_380 = tpu.vector_load %arg8[%get3A_378, %get3A_379] {strides = array<i32>} : memref<8x4096xf32, #tpu.memory_space<vmem>>, vector<1x16xf32>,
        %get3A_381 = vector.shape_cast %get3A_380 : vector<1x16xf32> to vector<16xf32>
        %mul3A_382 = arith.mulf %get3A_68, %get3A_381 : vector<16xf32>
        %add3A_383 = arith.addf %add3A_374, %mul3A_382 : vector<16xf32>
        %mul3A_384 = arith.constant 16 : i32
        %mul3A_385 = arith.muli %scan3A_321, %mul3A_384 : i32
        %get3A_386 = arith.constant 7 : i32
        %get3A_387 = arith.index_cast %get3A_386 : i32 to index
        %get3A_388 = arith.index_cast %mul3A_385 : i32 to index
        %get3A_389 = tpu.vector_load %arg8[%get3A_387, %get3A_388] {strides = array<i32>} : memref<8x4096xf32, #tpu.memory_space<vmem>>, vector<1x16xf32>,
        %get3A_390 = vector.shape_cast %get3A_389 : vector<1x16xf32> to vector<16xf32>
        %mul3A_391 = arith.mulf %get3A_75, %get3A_390 : vector<16xf32>
        %add3A_392 = arith.addf %add3A_383, %mul3A_391 : vector<16xf32>
        %mul3A_393 = arith.constant 16 : i32
        %mul3A_394 = arith.muli %scan3A_321, %mul3A_393 : i32
        %swap3A_395 = arith.index_cast %mul3A_394 : i32 to index
        %swap3A_396 = tpu.vector_load %arg9[%swap3A_395] {strides = array<i32>} : memref<4096xf32, #tpu.memory_space<vmem>>, vector<16xf32>,
        %swap3A_397 = vector.shape_cast %swap3A_396 : vector<16xf32> to vector<16xf32>
        %swap3A_398 = vector.shape_cast %add3A_392 : vector<16xf32> to vector<16xf32>
        tpu.vector_store %arg9[%swap3A_395], %swap3A_398 {strides = array<i32>} : memref<4096xf32, #tpu.memory_space<vmem>>, vector<16xf32>,
      }
      %scan3A_81 = arith.constant 256 : i32
      %add3A_82 = arith.addi %mul3A_2, %scan3A_12 : i32
      %mul3A_83 = arith.constant 4096 : i32
      %mul3A_84 = arith.muli %add3A_82, %mul3A_83 : i32
      "tpu.region"() ({
        %run_scoped3A = tpu.sem_alloc : memref<!tpu.dma_semaphore, #tpu.memory_space<semaphore_mem>>
        %dma_start3A_85 = tpu.memref_slice %arg5[%mul3A_84] : memref<33554432xf32, #tpu.memory_space<hbm>> -> memref<4096xf32, #tpu.memory_space<hbm>>
        %dma_start3A_86 = tpu.memref_slice %arg5[%mul3A_84] : memref<33554432xf32, #tpu.memory_space<hbm>> -> memref<4096xf32, #tpu.memory_space<hbm>>
        tpu.enqueue_dma source(%arg9 : memref<4096xf32, #tpu.memory_space<vmem>>) target(%dma_start3A_86 : memref<4096xf32, #tpu.memory_space<hbm>>) target_semaphore(%run_scoped3A : memref<!tpu.dma_semaphore, #tpu.memory_space<semaphore_mem>>)
        %dma_wait3A_87 = tpu.memref_slice %arg5[%mul3A_84] : memref<33554432xf32, #tpu.memory_space<hbm>> -> memref<4096xf32, #tpu.memory_space<hbm>>
        %dma_wait3A_88 = tpu.memref_slice %arg5[%mul3A_84] : memref<33554432xf32, #tpu.memory_space<hbm>> -> memref<4096xf32, #tpu.memory_space<hbm>>
        tpu.wait_dma2 semaphore(%run_scoped3A : memref<!tpu.dma_semaphore, #tpu.memory_space<semaphore_mem>>) src(%arg9 : memref<4096xf32, #tpu.memory_space<vmem>>) dst(%dma_wait3A_88 : memref<4096xf32, #tpu.memory_space<hbm>>)
        tpu.yield
      }) : () -> ()
    }
    %scan3A_11 = arith.constant 256 : i32
    return
  }
}

module attributes {stable_mosaic.version = 14 : i64} {
  func.func @_gate_body(%arg0: i32, %arg1: memref<512x4096xf32, #tpu.memory_space<vmem>>, %arg2: memref<4096x64xf32, #tpu.memory_space<vmem>>, %arg3: memref<1x64xf32, #tpu.memory_space<vmem>>, %arg4: memref<512x16xi32, #tpu.memory_space<vmem>>, %arg5: memref<512x128xf32, #tpu.memory_space<vmem>>) attributes {dimension_semantics = [#tpu.dimension_semantics<arbitrary>], iteration_bounds = array<i64: 16>, scalar_prefetch = 0 : i64, scratch_operands = 0 : i64, tpu.core_type = #tpu.core_type<tc>, window_params = [{transform_indices = @transform_0, window_bounds = array<i64: 512, 4096>}, {pipeline_mode = #tpu.pipeline_mode<synchronous>, transform_indices = @transform_1, window_bounds = array<i64: 4096, 64>}, {pipeline_mode = #tpu.pipeline_mode<synchronous>, transform_indices = @transform_2, window_bounds = array<i64: 1, 64>}, {transform_indices = @transform_3, window_bounds = array<i64: 512, 16>}, {transform_indices = @transform_4, window_bounds = array<i64: 512, 128>}]} {
    %get3A = arith.constant 0 : index
    %get3A_0 = arith.constant 0 : index
    %get3A_1 = vector.load %arg1[%get3A, %get3A_0] : memref<512x4096xf32, #tpu.memory_space<vmem>>, vector<512x4096xf32>
    %get3A_2 = arith.constant 0 : index
    %get3A_3 = arith.constant 0 : index
    %get3A_4 = vector.load %arg2[%get3A_2, %get3A_3] : memref<4096x64xf32, #tpu.memory_space<vmem>>, vector<4096x64xf32>
    %dot_general3A = arith.constant dense<0.000000e+00> : vector<512x64xf32>
    %dot_general3A_5 = tpu.matmul %get3A_1, %get3A_4, %dot_general3A {dimension_numbers = #tpu.dot_dimension_numbers<[1], [0], [0], [1], [0, 0, 1, 1], [], []>, transpose_lhs_hint = false} : vector<512x4096xf32>, vector<4096x64xf32>, vector<512x64xf32> -> vector<512x64xf32>
    %get3A_6 = arith.constant 0 : index
    %get3A_7 = arith.constant 0 : index
    %get3A_8 = vector.load %arg3[%get3A_6, %get3A_7] : memref<1x64xf32, #tpu.memory_space<vmem>>, vector<1x64xf32>
    %add3A = vector.broadcast %get3A_8 : vector<1x64xf32> to vector<512x64xf32>
    %add3A_9 = arith.addf %dot_general3A_5, %add3A : vector<512x64xf32>
    %reduce_max3A = arith.constant dense<0xFF800000> : vector<512xf32>
    %reduce_max3A_10 = vector.multi_reduction <maximumf>, %add3A_9, %reduce_max3A [1] : vector<512x64xf32> to vector<512xf32>
    %broadcast_in_dim3A = vector.shape_cast %reduce_max3A_10 : vector<512xf32> to vector<512x1xf32>
    %sub3A = vector.broadcast %broadcast_in_dim3A : vector<512x1xf32> to vector<512x64xf32>
    %sub3A_11 = arith.subf %add3A_9, %sub3A : vector<512x64xf32>
    %exp3A = math.exp %sub3A_11 : vector<512x64xf32>
    %reduce_sum3A = arith.constant dense<0.000000e+00> : vector<512xf32>
    %reduce_sum3A_12 = vector.multi_reduction <add>, %exp3A, %reduce_sum3A [1] : vector<512x64xf32> to vector<512xf32>
    %broadcast_in_dim3A_13 = vector.shape_cast %reduce_sum3A_12 : vector<512xf32> to vector<512x1xf32>
    %div3A = vector.broadcast %broadcast_in_dim3A_13 : vector<512x1xf32> to vector<512x64xf32>
    %div3A_14 = arith.divf %exp3A, %div3A : vector<512x64xf32>
    %iota3A = tpu.iota {dimensions = array<i32: 1>} : vector<512x64xi32>
    %iota3A_15 = tpu.iota {dimensions = array<i32: 1>} : vector<512x16xi32>
    %broadcast_in_dim3A_16 = arith.constant 0 : i32
    %broadcast_in_dim3A_17 = vector.broadcast %broadcast_in_dim3A_16 : i32 to vector<512x16xi32>
    %broadcast_in_dim3A_18 = arith.constant 0.000000e+00 : f32
    %broadcast_in_dim3A_19 = vector.broadcast %broadcast_in_dim3A_18 : f32 to vector<512x128xf32>
    %iota3A_20 = tpu.iota {dimensions = array<i32: 1>} : vector<512x128xi32>
    %jit3A = arith.constant 16 : i32
    %div3A_21 = vector.broadcast %jit3A : i32 to vector<512x128xi32>
    %div3A_22 = arith.divsi %iota3A_20, %div3A_21 : vector<512x128xi32>
    %sign3A = arith.constant 0 : i32
    %sign3A_23 = vector.broadcast %sign3A : i32 to vector<512x128xi32>
    %sign3A_24 = arith.cmpi sgt, %iota3A_20, %sign3A_23 : vector<512x128xi32>
    %sign3A_25 = arith.extui %sign3A_24 : vector<512x128xi1> to vector<512x128xi32>
    %sign3A_26 = arith.constant 0 : i32
    %sign3A_27 = vector.broadcast %sign3A_26 : i32 to vector<512x128xi32>
    %sign3A_28 = arith.cmpi slt, %iota3A_20, %sign3A_27 : vector<512x128xi32>
    %sign3A_29 = arith.extui %sign3A_28 : vector<512x128xi1> to vector<512x128xi32>
    %sign3A_30 = arith.subi %sign3A_25, %sign3A_29 : vector<512x128xi32>
    %sign3A_31 = arith.constant 0 : i32
    %sign3A_32 = arith.cmpi sgt, %jit3A, %sign3A_31 : i32
    %sign3A_33 = arith.extui %sign3A_32 : i1 to i32
    %sign3A_34 = arith.constant 0 : i32
    %sign3A_35 = arith.cmpi slt, %jit3A, %sign3A_34 : i32
    %sign3A_36 = arith.extui %sign3A_35 : i1 to i32
    %sign3A_37 = arith.subi %sign3A_33, %sign3A_36 : i32
    %ne3A = vector.broadcast %sign3A_37 : i32 to vector<512x128xi32>
    %ne3A_38 = arith.cmpi ne, %sign3A_30, %ne3A : vector<512x128xi32>
    %rem3A = vector.broadcast %jit3A : i32 to vector<512x128xi32>
    %rem3A_39 = arith.remsi %iota3A_20, %rem3A : vector<512x128xi32>
    %ne3A_40 = arith.constant 0 : i32
    %ne3A_41 = vector.broadcast %ne3A_40 : i32 to vector<512x128xi32>
    %ne3A_42 = arith.cmpi ne, %rem3A_39, %ne3A_41 : vector<512x128xi32>
    %and3A = arith.andi %ne3A_38, %ne3A_42 : vector<512x128xi1>
    %sub3A_43 = arith.constant 1 : i32
    %sub3A_44 = vector.broadcast %sub3A_43 : i32 to vector<512x128xi32>
    %sub3A_45 = arith.subi %div3A_22, %sub3A_44 : vector<512x128xi32>
    %select_n3A = arith.select %and3A, %sub3A_45, %div3A_22 : vector<512x128xi1>, vector<512x128xi32>
    %reduce_max3A_46 = arith.constant dense<0xFF800000> : vector<512xf32>
    %reduce_max3A_47 = vector.multi_reduction <maximumf>, %add3A_9, %reduce_max3A_46 [1] : vector<512x64xf32> to vector<512xf32>
    %broadcast_in_dim3A_48 = vector.shape_cast %reduce_max3A_47 : vector<512xf32> to vector<512x1xf32>
    %ge3A = vector.broadcast %broadcast_in_dim3A_48 : vector<512x1xf32> to vector<512x64xf32>
    %ge3A_49 = arith.cmpf oge, %add3A_9, %ge3A : vector<512x64xf32>
    %jit3A_50 = arith.constant 64 : i32
    %broadcast_in_dim3A_51 = vector.broadcast %jit3A_50 : i32 to vector<512x64xi32>
    %select_n3A_52 = arith.select %ge3A_49, %iota3A, %broadcast_in_dim3A_51 : vector<512x64xi1>, vector<512x64xi32>
    %reduce_min3A = arith.constant dense<2147483647> : vector<512xi32>
    %reduce_min3A_53 = vector.multi_reduction <minsi>, %select_n3A_52, %reduce_min3A [1] : vector<512x64xi32> to vector<512xi32>
    %broadcast_in_dim3A_54 = vector.shape_cast %reduce_min3A_53 : vector<512xi32> to vector<512x1xi32>
    %eq3A = vector.broadcast %broadcast_in_dim3A_54 : vector<512x1xi32> to vector<512x64xi32>
    %eq3A_55 = arith.cmpi eq, %iota3A, %eq3A : vector<512x64xi32>
    %jit3A_56 = arith.constant 0.000000e+00 : f32
    %broadcast_in_dim3A_57 = vector.broadcast %jit3A_56 : f32 to vector<512x64xf32>
    %select_n3A_58 = arith.select %eq3A_55, %div3A_14, %broadcast_in_dim3A_57 : vector<512x64xi1>, vector<512x64xf32>
    %reduce_sum3A_59 = arith.constant dense<0.000000e+00> : vector<512xf32>
    %reduce_sum3A_60 = vector.multi_reduction <add>, %select_n3A_58, %reduce_sum3A_59 [1] : vector<512x64xf32> to vector<512xf32>
    %broadcast_in_dim3A_61 = vector.shape_cast %reduce_sum3A_60 : vector<512xf32> to vector<512x1xf32>
    %eq3A_62 = arith.constant 0 : i32
    %eq3A_63 = vector.broadcast %eq3A_62 : i32 to vector<512x16xi32>
    %eq3A_64 = arith.cmpi eq, %iota3A_15, %eq3A_63 : vector<512x16xi32>
    %broadcast_in_dim3A_65 = vector.shape_cast %broadcast_in_dim3A_54 : vector<512x1xi32> to vector<512x1xi32>
    %broadcast_in_dim3A_66 = vector.broadcast %broadcast_in_dim3A_65 : vector<512x1xi32> to vector<512x16xi32>
    %select_n3A_67 = arith.select %eq3A_64, %broadcast_in_dim3A_66, %broadcast_in_dim3A_17 : vector<512x16xi1>, vector<512x16xi32>
    %eq3A_68 = arith.constant 0 : i32
    %eq3A_69 = vector.broadcast %eq3A_68 : i32 to vector<512x128xi32>
    %eq3A_70 = arith.cmpi eq, %select_n3A, %eq3A_69 : vector<512x128xi32>
    %broadcast_in_dim3A_71 = vector.shape_cast %broadcast_in_dim3A_61 : vector<512x1xf32> to vector<512x1xf32>
    %broadcast_in_dim3A_72 = vector.broadcast %broadcast_in_dim3A_71 : vector<512x1xf32> to vector<512x128xf32>
    %select_n3A_73 = arith.select %eq3A_70, %broadcast_in_dim3A_72, %broadcast_in_dim3A_19 : vector<512x128xi1>, vector<512x128xf32>
    %eq3A_74 = vector.broadcast %broadcast_in_dim3A_54 : vector<512x1xi32> to vector<512x64xi32>
    %eq3A_75 = arith.cmpi eq, %iota3A, %eq3A_74 : vector<512x64xi32>
    %jit3A_76 = arith.constant -3.000000e+38 : f32
    %broadcast_in_dim3A_77 = vector.broadcast %jit3A_76 : f32 to vector<512x64xf32>
    %select_n3A_78 = arith.select %eq3A_75, %broadcast_in_dim3A_77, %add3A_9 : vector<512x64xi1>, vector<512x64xf32>
    %reduce_max3A_79 = arith.constant dense<0xFF800000> : vector<512xf32>
    %reduce_max3A_80 = vector.multi_reduction <maximumf>, %select_n3A_78, %reduce_max3A_79 [1] : vector<512x64xf32> to vector<512xf32>
    %broadcast_in_dim3A_81 = vector.shape_cast %reduce_max3A_80 : vector<512xf32> to vector<512x1xf32>
    %ge3A_82 = vector.broadcast %broadcast_in_dim3A_81 : vector<512x1xf32> to vector<512x64xf32>
    %ge3A_83 = arith.cmpf oge, %select_n3A_78, %ge3A_82 : vector<512x64xf32>
    %jit3A_84 = arith.constant 64 : i32
    %broadcast_in_dim3A_85 = vector.broadcast %jit3A_84 : i32 to vector<512x64xi32>
    %select_n3A_86 = arith.select %ge3A_83, %iota3A, %broadcast_in_dim3A_85 : vector<512x64xi1>, vector<512x64xi32>
    %reduce_min3A_87 = arith.constant dense<2147483647> : vector<512xi32>
    %reduce_min3A_88 = vector.multi_reduction <minsi>, %select_n3A_86, %reduce_min3A_87 [1] : vector<512x64xi32> to vector<512xi32>
    %broadcast_in_dim3A_89 = vector.shape_cast %reduce_min3A_88 : vector<512xi32> to vector<512x1xi32>
    %eq3A_90 = vector.broadcast %broadcast_in_dim3A_89 : vector<512x1xi32> to vector<512x64xi32>
    %eq3A_91 = arith.cmpi eq, %iota3A, %eq3A_90 : vector<512x64xi32>
    %jit3A_92 = arith.constant 0.000000e+00 : f32
    %broadcast_in_dim3A_93 = vector.broadcast %jit3A_92 : f32 to vector<512x64xf32>
    %select_n3A_94 = arith.select %eq3A_91, %div3A_14, %broadcast_in_dim3A_93 : vector<512x64xi1>, vector<512x64xf32>
    %reduce_sum3A_95 = arith.constant dense<0.000000e+00> : vector<512xf32>
    %reduce_sum3A_96 = vector.multi_reduction <add>, %select_n3A_94, %reduce_sum3A_95 [1] : vector<512x64xf32> to vector<512xf32>
    %broadcast_in_dim3A_97 = vector.shape_cast %reduce_sum3A_96 : vector<512xf32> to vector<512x1xf32>
    %eq3A_98 = arith.constant 1 : i32
    %eq3A_99 = vector.broadcast %eq3A_98 : i32 to vector<512x16xi32>
    %eq3A_100 = arith.cmpi eq, %iota3A_15, %eq3A_99 : vector<512x16xi32>
    %broadcast_in_dim3A_101 = vector.shape_cast %broadcast_in_dim3A_89 : vector<512x1xi32> to vector<512x1xi32>
    %broadcast_in_dim3A_102 = vector.broadcast %broadcast_in_dim3A_101 : vector<512x1xi32> to vector<512x16xi32>
    %select_n3A_103 = arith.select %eq3A_100, %broadcast_in_dim3A_102, %select_n3A_67 : vector<512x16xi1>, vector<512x16xi32>
    %eq3A_104 = arith.constant 1 : i32
    %eq3A_105 = vector.broadcast %eq3A_104 : i32 to vector<512x128xi32>
    %eq3A_106 = arith.cmpi eq, %select_n3A, %eq3A_105 : vector<512x128xi32>
    %broadcast_in_dim3A_107 = vector.shape_cast %broadcast_in_dim3A_97 : vector<512x1xf32> to vector<512x1xf32>
    %broadcast_in_dim3A_108 = vector.broadcast %broadcast_in_dim3A_107 : vector<512x1xf32> to vector<512x128xf32>
    %select_n3A_109 = arith.select %eq3A_106, %broadcast_in_dim3A_108, %select_n3A_73 : vector<512x128xi1>, vector<512x128xf32>
    %eq3A_110 = vector.broadcast %broadcast_in_dim3A_89 : vector<512x1xi32> to vector<512x64xi32>
    %eq3A_111 = arith.cmpi eq, %iota3A, %eq3A_110 : vector<512x64xi32>
    %jit3A_112 = arith.constant -3.000000e+38 : f32
    %broadcast_in_dim3A_113 = vector.broadcast %jit3A_112 : f32 to vector<512x64xf32>
    %select_n3A_114 = arith.select %eq3A_111, %broadcast_in_dim3A_113, %select_n3A_78 : vector<512x64xi1>, vector<512x64xf32>
    %reduce_max3A_115 = arith.constant dense<0xFF800000> : vector<512xf32>
    %reduce_max3A_116 = vector.multi_reduction <maximumf>, %select_n3A_114, %reduce_max3A_115 [1] : vector<512x64xf32> to vector<512xf32>
    %broadcast_in_dim3A_117 = vector.shape_cast %reduce_max3A_116 : vector<512xf32> to vector<512x1xf32>
    %ge3A_118 = vector.broadcast %broadcast_in_dim3A_117 : vector<512x1xf32> to vector<512x64xf32>
    %ge3A_119 = arith.cmpf oge, %select_n3A_114, %ge3A_118 : vector<512x64xf32>
    %jit3A_120 = arith.constant 64 : i32
    %broadcast_in_dim3A_121 = vector.broadcast %jit3A_120 : i32 to vector<512x64xi32>
    %select_n3A_122 = arith.select %ge3A_119, %iota3A, %broadcast_in_dim3A_121 : vector<512x64xi1>, vector<512x64xi32>
    %reduce_min3A_123 = arith.constant dense<2147483647> : vector<512xi32>
    %reduce_min3A_124 = vector.multi_reduction <minsi>, %select_n3A_122, %reduce_min3A_123 [1] : vector<512x64xi32> to vector<512xi32>
    %broadcast_in_dim3A_125 = vector.shape_cast %reduce_min3A_124 : vector<512xi32> to vector<512x1xi32>
    %eq3A_126 = vector.broadcast %broadcast_in_dim3A_125 : vector<512x1xi32> to vector<512x64xi32>
    %eq3A_127 = arith.cmpi eq, %iota3A, %eq3A_126 : vector<512x64xi32>
    %jit3A_128 = arith.constant 0.000000e+00 : f32
    %broadcast_in_dim3A_129 = vector.broadcast %jit3A_128 : f32 to vector<512x64xf32>
    %select_n3A_130 = arith.select %eq3A_127, %div3A_14, %broadcast_in_dim3A_129 : vector<512x64xi1>, vector<512x64xf32>
    %reduce_sum3A_131 = arith.constant dense<0.000000e+00> : vector<512xf32>
    %reduce_sum3A_132 = vector.multi_reduction <add>, %select_n3A_130, %reduce_sum3A_131 [1] : vector<512x64xf32> to vector<512xf32>
    %broadcast_in_dim3A_133 = vector.shape_cast %reduce_sum3A_132 : vector<512xf32> to vector<512x1xf32>
    %eq3A_134 = arith.constant 2 : i32
    %eq3A_135 = vector.broadcast %eq3A_134 : i32 to vector<512x16xi32>
    %eq3A_136 = arith.cmpi eq, %iota3A_15, %eq3A_135 : vector<512x16xi32>
    %broadcast_in_dim3A_137 = vector.shape_cast %broadcast_in_dim3A_125 : vector<512x1xi32> to vector<512x1xi32>
    %broadcast_in_dim3A_138 = vector.broadcast %broadcast_in_dim3A_137 : vector<512x1xi32> to vector<512x16xi32>
    %select_n3A_139 = arith.select %eq3A_136, %broadcast_in_dim3A_138, %select_n3A_103 : vector<512x16xi1>, vector<512x16xi32>
    %eq3A_140 = arith.constant 2 : i32
    %eq3A_141 = vector.broadcast %eq3A_140 : i32 to vector<512x128xi32>
    %eq3A_142 = arith.cmpi eq, %select_n3A, %eq3A_141 : vector<512x128xi32>
    %broadcast_in_dim3A_143 = vector.shape_cast %broadcast_in_dim3A_133 : vector<512x1xf32> to vector<512x1xf32>
    %broadcast_in_dim3A_144 = vector.broadcast %broadcast_in_dim3A_143 : vector<512x1xf32> to vector<512x128xf32>
    %select_n3A_145 = arith.select %eq3A_142, %broadcast_in_dim3A_144, %select_n3A_109 : vector<512x128xi1>, vector<512x128xf32>
    %eq3A_146 = vector.broadcast %broadcast_in_dim3A_125 : vector<512x1xi32> to vector<512x64xi32>
    %eq3A_147 = arith.cmpi eq, %iota3A, %eq3A_146 : vector<512x64xi32>
    %jit3A_148 = arith.constant -3.000000e+38 : f32
    %broadcast_in_dim3A_149 = vector.broadcast %jit3A_148 : f32 to vector<512x64xf32>
    %select_n3A_150 = arith.select %eq3A_147, %broadcast_in_dim3A_149, %select_n3A_114 : vector<512x64xi1>, vector<512x64xf32>
    %reduce_max3A_151 = arith.constant dense<0xFF800000> : vector<512xf32>
    %reduce_max3A_152 = vector.multi_reduction <maximumf>, %select_n3A_150, %reduce_max3A_151 [1] : vector<512x64xf32> to vector<512xf32>
    %broadcast_in_dim3A_153 = vector.shape_cast %reduce_max3A_152 : vector<512xf32> to vector<512x1xf32>
    %ge3A_154 = vector.broadcast %broadcast_in_dim3A_153 : vector<512x1xf32> to vector<512x64xf32>
    %ge3A_155 = arith.cmpf oge, %select_n3A_150, %ge3A_154 : vector<512x64xf32>
    %jit3A_156 = arith.constant 64 : i32
    %broadcast_in_dim3A_157 = vector.broadcast %jit3A_156 : i32 to vector<512x64xi32>
    %select_n3A_158 = arith.select %ge3A_155, %iota3A, %broadcast_in_dim3A_157 : vector<512x64xi1>, vector<512x64xi32>
    %reduce_min3A_159 = arith.constant dense<2147483647> : vector<512xi32>
    %reduce_min3A_160 = vector.multi_reduction <minsi>, %select_n3A_158, %reduce_min3A_159 [1] : vector<512x64xi32> to vector<512xi32>
    %broadcast_in_dim3A_161 = vector.shape_cast %reduce_min3A_160 : vector<512xi32> to vector<512x1xi32>
    %eq3A_162 = vector.broadcast %broadcast_in_dim3A_161 : vector<512x1xi32> to vector<512x64xi32>
    %eq3A_163 = arith.cmpi eq, %iota3A, %eq3A_162 : vector<512x64xi32>
    %jit3A_164 = arith.constant 0.000000e+00 : f32
    %broadcast_in_dim3A_165 = vector.broadcast %jit3A_164 : f32 to vector<512x64xf32>
    %select_n3A_166 = arith.select %eq3A_163, %div3A_14, %broadcast_in_dim3A_165 : vector<512x64xi1>, vector<512x64xf32>
    %reduce_sum3A_167 = arith.constant dense<0.000000e+00> : vector<512xf32>
    %reduce_sum3A_168 = vector.multi_reduction <add>, %select_n3A_166, %reduce_sum3A_167 [1] : vector<512x64xf32> to vector<512xf32>
    %broadcast_in_dim3A_169 = vector.shape_cast %reduce_sum3A_168 : vector<512xf32> to vector<512x1xf32>
    %eq3A_170 = arith.constant 3 : i32
    %eq3A_171 = vector.broadcast %eq3A_170 : i32 to vector<512x16xi32>
    %eq3A_172 = arith.cmpi eq, %iota3A_15, %eq3A_171 : vector<512x16xi32>
    %broadcast_in_dim3A_173 = vector.shape_cast %broadcast_in_dim3A_161 : vector<512x1xi32> to vector<512x1xi32>
    %broadcast_in_dim3A_174 = vector.broadcast %broadcast_in_dim3A_173 : vector<512x1xi32> to vector<512x16xi32>
    %select_n3A_175 = arith.select %eq3A_172, %broadcast_in_dim3A_174, %select_n3A_139 : vector<512x16xi1>, vector<512x16xi32>
    %eq3A_176 = arith.constant 3 : i32
    %eq3A_177 = vector.broadcast %eq3A_176 : i32 to vector<512x128xi32>
    %eq3A_178 = arith.cmpi eq, %select_n3A, %eq3A_177 : vector<512x128xi32>
    %broadcast_in_dim3A_179 = vector.shape_cast %broadcast_in_dim3A_169 : vector<512x1xf32> to vector<512x1xf32>
    %broadcast_in_dim3A_180 = vector.broadcast %broadcast_in_dim3A_179 : vector<512x1xf32> to vector<512x128xf32>
    %select_n3A_181 = arith.select %eq3A_178, %broadcast_in_dim3A_180, %select_n3A_145 : vector<512x128xi1>, vector<512x128xf32>
    %eq3A_182 = vector.broadcast %broadcast_in_dim3A_161 : vector<512x1xi32> to vector<512x64xi32>
    %eq3A_183 = arith.cmpi eq, %iota3A, %eq3A_182 : vector<512x64xi32>
    %jit3A_184 = arith.constant -3.000000e+38 : f32
    %broadcast_in_dim3A_185 = vector.broadcast %jit3A_184 : f32 to vector<512x64xf32>
    %select_n3A_186 = arith.select %eq3A_183, %broadcast_in_dim3A_185, %select_n3A_150 : vector<512x64xi1>, vector<512x64xf32>
    %reduce_max3A_187 = arith.constant dense<0xFF800000> : vector<512xf32>
    %reduce_max3A_188 = vector.multi_reduction <maximumf>, %select_n3A_186, %reduce_max3A_187 [1] : vector<512x64xf32> to vector<512xf32>
    %broadcast_in_dim3A_189 = vector.shape_cast %reduce_max3A_188 : vector<512xf32> to vector<512x1xf32>
    %ge3A_190 = vector.broadcast %broadcast_in_dim3A_189 : vector<512x1xf32> to vector<512x64xf32>
    %ge3A_191 = arith.cmpf oge, %select_n3A_186, %ge3A_190 : vector<512x64xf32>
    %jit3A_192 = arith.constant 64 : i32
    %broadcast_in_dim3A_193 = vector.broadcast %jit3A_192 : i32 to vector<512x64xi32>
    %select_n3A_194 = arith.select %ge3A_191, %iota3A, %broadcast_in_dim3A_193 : vector<512x64xi1>, vector<512x64xi32>
    %reduce_min3A_195 = arith.constant dense<2147483647> : vector<512xi32>
    %reduce_min3A_196 = vector.multi_reduction <minsi>, %select_n3A_194, %reduce_min3A_195 [1] : vector<512x64xi32> to vector<512xi32>
    %broadcast_in_dim3A_197 = vector.shape_cast %reduce_min3A_196 : vector<512xi32> to vector<512x1xi32>
    %eq3A_198 = vector.broadcast %broadcast_in_dim3A_197 : vector<512x1xi32> to vector<512x64xi32>
    %eq3A_199 = arith.cmpi eq, %iota3A, %eq3A_198 : vector<512x64xi32>
    %jit3A_200 = arith.constant 0.000000e+00 : f32
    %broadcast_in_dim3A_201 = vector.broadcast %jit3A_200 : f32 to vector<512x64xf32>
    %select_n3A_202 = arith.select %eq3A_199, %div3A_14, %broadcast_in_dim3A_201 : vector<512x64xi1>, vector<512x64xf32>
    %reduce_sum3A_203 = arith.constant dense<0.000000e+00> : vector<512xf32>
    %reduce_sum3A_204 = vector.multi_reduction <add>, %select_n3A_202, %reduce_sum3A_203 [1] : vector<512x64xf32> to vector<512xf32>
    %broadcast_in_dim3A_205 = vector.shape_cast %reduce_sum3A_204 : vector<512xf32> to vector<512x1xf32>
    %eq3A_206 = arith.constant 4 : i32
    %eq3A_207 = vector.broadcast %eq3A_206 : i32 to vector<512x16xi32>
    %eq3A_208 = arith.cmpi eq, %iota3A_15, %eq3A_207 : vector<512x16xi32>
    %broadcast_in_dim3A_209 = vector.shape_cast %broadcast_in_dim3A_197 : vector<512x1xi32> to vector<512x1xi32>
    %broadcast_in_dim3A_210 = vector.broadcast %broadcast_in_dim3A_209 : vector<512x1xi32> to vector<512x16xi32>
    %select_n3A_211 = arith.select %eq3A_208, %broadcast_in_dim3A_210, %select_n3A_175 : vector<512x16xi1>, vector<512x16xi32>
    %eq3A_212 = arith.constant 4 : i32
    %eq3A_213 = vector.broadcast %eq3A_212 : i32 to vector<512x128xi32>
    %eq3A_214 = arith.cmpi eq, %select_n3A, %eq3A_213 : vector<512x128xi32>
    %broadcast_in_dim3A_215 = vector.shape_cast %broadcast_in_dim3A_205 : vector<512x1xf32> to vector<512x1xf32>
    %broadcast_in_dim3A_216 = vector.broadcast %broadcast_in_dim3A_215 : vector<512x1xf32> to vector<512x128xf32>
    %select_n3A_217 = arith.select %eq3A_214, %broadcast_in_dim3A_216, %select_n3A_181 : vector<512x128xi1>, vector<512x128xf32>
    %eq3A_218 = vector.broadcast %broadcast_in_dim3A_197 : vector<512x1xi32> to vector<512x64xi32>
    %eq3A_219 = arith.cmpi eq, %iota3A, %eq3A_218 : vector<512x64xi32>
    %jit3A_220 = arith.constant -3.000000e+38 : f32
    %broadcast_in_dim3A_221 = vector.broadcast %jit3A_220 : f32 to vector<512x64xf32>
    %select_n3A_222 = arith.select %eq3A_219, %broadcast_in_dim3A_221, %select_n3A_186 : vector<512x64xi1>, vector<512x64xf32>
    %reduce_max3A_223 = arith.constant dense<0xFF800000> : vector<512xf32>
    %reduce_max3A_224 = vector.multi_reduction <maximumf>, %select_n3A_222, %reduce_max3A_223 [1] : vector<512x64xf32> to vector<512xf32>
    %broadcast_in_dim3A_225 = vector.shape_cast %reduce_max3A_224 : vector<512xf32> to vector<512x1xf32>
    %ge3A_226 = vector.broadcast %broadcast_in_dim3A_225 : vector<512x1xf32> to vector<512x64xf32>
    %ge3A_227 = arith.cmpf oge, %select_n3A_222, %ge3A_226 : vector<512x64xf32>
    %jit3A_228 = arith.constant 64 : i32
    %broadcast_in_dim3A_229 = vector.broadcast %jit3A_228 : i32 to vector<512x64xi32>
    %select_n3A_230 = arith.select %ge3A_227, %iota3A, %broadcast_in_dim3A_229 : vector<512x64xi1>, vector<512x64xi32>
    %reduce_min3A_231 = arith.constant dense<2147483647> : vector<512xi32>
    %reduce_min3A_232 = vector.multi_reduction <minsi>, %select_n3A_230, %reduce_min3A_231 [1] : vector<512x64xi32> to vector<512xi32>
    %broadcast_in_dim3A_233 = vector.shape_cast %reduce_min3A_232 : vector<512xi32> to vector<512x1xi32>
    %eq3A_234 = vector.broadcast %broadcast_in_dim3A_233 : vector<512x1xi32> to vector<512x64xi32>
    %eq3A_235 = arith.cmpi eq, %iota3A, %eq3A_234 : vector<512x64xi32>
    %jit3A_236 = arith.constant 0.000000e+00 : f32
    %broadcast_in_dim3A_237 = vector.broadcast %jit3A_236 : f32 to vector<512x64xf32>
    %select_n3A_238 = arith.select %eq3A_235, %div3A_14, %broadcast_in_dim3A_237 : vector<512x64xi1>, vector<512x64xf32>
    %reduce_sum3A_239 = arith.constant dense<0.000000e+00> : vector<512xf32>
    %reduce_sum3A_240 = vector.multi_reduction <add>, %select_n3A_238, %reduce_sum3A_239 [1] : vector<512x64xf32> to vector<512xf32>
    %broadcast_in_dim3A_241 = vector.shape_cast %reduce_sum3A_240 : vector<512xf32> to vector<512x1xf32>
    %eq3A_242 = arith.constant 5 : i32
    %eq3A_243 = vector.broadcast %eq3A_242 : i32 to vector<512x16xi32>
    %eq3A_244 = arith.cmpi eq, %iota3A_15, %eq3A_243 : vector<512x16xi32>
    %broadcast_in_dim3A_245 = vector.shape_cast %broadcast_in_dim3A_233 : vector<512x1xi32> to vector<512x1xi32>
    %broadcast_in_dim3A_246 = vector.broadcast %broadcast_in_dim3A_245 : vector<512x1xi32> to vector<512x16xi32>
    %select_n3A_247 = arith.select %eq3A_244, %broadcast_in_dim3A_246, %select_n3A_211 : vector<512x16xi1>, vector<512x16xi32>
    %eq3A_248 = arith.constant 5 : i32
    %eq3A_249 = vector.broadcast %eq3A_248 : i32 to vector<512x128xi32>
    %eq3A_250 = arith.cmpi eq, %select_n3A, %eq3A_249 : vector<512x128xi32>
    %broadcast_in_dim3A_251 = vector.shape_cast %broadcast_in_dim3A_241 : vector<512x1xf32> to vector<512x1xf32>
    %broadcast_in_dim3A_252 = vector.broadcast %broadcast_in_dim3A_251 : vector<512x1xf32> to vector<512x128xf32>
    %select_n3A_253 = arith.select %eq3A_250, %broadcast_in_dim3A_252, %select_n3A_217 : vector<512x128xi1>, vector<512x128xf32>
    %eq3A_254 = vector.broadcast %broadcast_in_dim3A_233 : vector<512x1xi32> to vector<512x64xi32>
    %eq3A_255 = arith.cmpi eq, %iota3A, %eq3A_254 : vector<512x64xi32>
    %jit3A_256 = arith.constant -3.000000e+38 : f32
    %broadcast_in_dim3A_257 = vector.broadcast %jit3A_256 : f32 to vector<512x64xf32>
    %select_n3A_258 = arith.select %eq3A_255, %broadcast_in_dim3A_257, %select_n3A_222 : vector<512x64xi1>, vector<512x64xf32>
    %reduce_max3A_259 = arith.constant dense<0xFF800000> : vector<512xf32>
    %reduce_max3A_260 = vector.multi_reduction <maximumf>, %select_n3A_258, %reduce_max3A_259 [1] : vector<512x64xf32> to vector<512xf32>
    %broadcast_in_dim3A_261 = vector.shape_cast %reduce_max3A_260 : vector<512xf32> to vector<512x1xf32>
    %ge3A_262 = vector.broadcast %broadcast_in_dim3A_261 : vector<512x1xf32> to vector<512x64xf32>
    %ge3A_263 = arith.cmpf oge, %select_n3A_258, %ge3A_262 : vector<512x64xf32>
    %jit3A_264 = arith.constant 64 : i32
    %broadcast_in_dim3A_265 = vector.broadcast %jit3A_264 : i32 to vector<512x64xi32>
    %select_n3A_266 = arith.select %ge3A_263, %iota3A, %broadcast_in_dim3A_265 : vector<512x64xi1>, vector<512x64xi32>
    %reduce_min3A_267 = arith.constant dense<2147483647> : vector<512xi32>
    %reduce_min3A_268 = vector.multi_reduction <minsi>, %select_n3A_266, %reduce_min3A_267 [1] : vector<512x64xi32> to vector<512xi32>
    %broadcast_in_dim3A_269 = vector.shape_cast %reduce_min3A_268 : vector<512xi32> to vector<512x1xi32>
    %eq3A_270 = vector.broadcast %broadcast_in_dim3A_269 : vector<512x1xi32> to vector<512x64xi32>
    %eq3A_271 = arith.cmpi eq, %iota3A, %eq3A_270 : vector<512x64xi32>
    %jit3A_272 = arith.constant 0.000000e+00 : f32
    %broadcast_in_dim3A_273 = vector.broadcast %jit3A_272 : f32 to vector<512x64xf32>
    %select_n3A_274 = arith.select %eq3A_271, %div3A_14, %broadcast_in_dim3A_273 : vector<512x64xi1>, vector<512x64xf32>
    %reduce_sum3A_275 = arith.constant dense<0.000000e+00> : vector<512xf32>
    %reduce_sum3A_276 = vector.multi_reduction <add>, %select_n3A_274, %reduce_sum3A_275 [1] : vector<512x64xf32> to vector<512xf32>
    %broadcast_in_dim3A_277 = vector.shape_cast %reduce_sum3A_276 : vector<512xf32> to vector<512x1xf32>
    %eq3A_278 = arith.constant 6 : i32
    %eq3A_279 = vector.broadcast %eq3A_278 : i32 to vector<512x16xi32>
    %eq3A_280 = arith.cmpi eq, %iota3A_15, %eq3A_279 : vector<512x16xi32>
    %broadcast_in_dim3A_281 = vector.shape_cast %broadcast_in_dim3A_269 : vector<512x1xi32> to vector<512x1xi32>
    %broadcast_in_dim3A_282 = vector.broadcast %broadcast_in_dim3A_281 : vector<512x1xi32> to vector<512x16xi32>
    %select_n3A_283 = arith.select %eq3A_280, %broadcast_in_dim3A_282, %select_n3A_247 : vector<512x16xi1>, vector<512x16xi32>
    %eq3A_284 = arith.constant 6 : i32
    %eq3A_285 = vector.broadcast %eq3A_284 : i32 to vector<512x128xi32>
    %eq3A_286 = arith.cmpi eq, %select_n3A, %eq3A_285 : vector<512x128xi32>
    %broadcast_in_dim3A_287 = vector.shape_cast %broadcast_in_dim3A_277 : vector<512x1xf32> to vector<512x1xf32>
    %broadcast_in_dim3A_288 = vector.broadcast %broadcast_in_dim3A_287 : vector<512x1xf32> to vector<512x128xf32>
    %select_n3A_289 = arith.select %eq3A_286, %broadcast_in_dim3A_288, %select_n3A_253 : vector<512x128xi1>, vector<512x128xf32>
    %eq3A_290 = vector.broadcast %broadcast_in_dim3A_269 : vector<512x1xi32> to vector<512x64xi32>
    %eq3A_291 = arith.cmpi eq, %iota3A, %eq3A_290 : vector<512x64xi32>
    %jit3A_292 = arith.constant -3.000000e+38 : f32
    %broadcast_in_dim3A_293 = vector.broadcast %jit3A_292 : f32 to vector<512x64xf32>
    %select_n3A_294 = arith.select %eq3A_291, %broadcast_in_dim3A_293, %select_n3A_258 : vector<512x64xi1>, vector<512x64xf32>
    %reduce_max3A_295 = arith.constant dense<0xFF800000> : vector<512xf32>
    %reduce_max3A_296 = vector.multi_reduction <maximumf>, %select_n3A_294, %reduce_max3A_295 [1] : vector<512x64xf32> to vector<512xf32>
    %broadcast_in_dim3A_297 = vector.shape_cast %reduce_max3A_296 : vector<512xf32> to vector<512x1xf32>
    %ge3A_298 = vector.broadcast %broadcast_in_dim3A_297 : vector<512x1xf32> to vector<512x64xf32>
    %ge3A_299 = arith.cmpf oge, %select_n3A_294, %ge3A_298 : vector<512x64xf32>
    %jit3A_300 = arith.constant 64 : i32
    %broadcast_in_dim3A_301 = vector.broadcast %jit3A_300 : i32 to vector<512x64xi32>
    %select_n3A_302 = arith.select %ge3A_299, %iota3A, %broadcast_in_dim3A_301 : vector<512x64xi1>, vector<512x64xi32>
    %reduce_min3A_303 = arith.constant dense<2147483647> : vector<512xi32>
    %reduce_min3A_304 = vector.multi_reduction <minsi>, %select_n3A_302, %reduce_min3A_303 [1] : vector<512x64xi32> to vector<512xi32>
    %broadcast_in_dim3A_305 = vector.shape_cast %reduce_min3A_304 : vector<512xi32> to vector<512x1xi32>
    %eq3A_306 = vector.broadcast %broadcast_in_dim3A_305 : vector<512x1xi32> to vector<512x64xi32>
    %eq3A_307 = arith.cmpi eq, %iota3A, %eq3A_306 : vector<512x64xi32>
    %jit3A_308 = arith.constant 0.000000e+00 : f32
    %broadcast_in_dim3A_309 = vector.broadcast %jit3A_308 : f32 to vector<512x64xf32>
    %select_n3A_310 = arith.select %eq3A_307, %div3A_14, %broadcast_in_dim3A_309 : vector<512x64xi1>, vector<512x64xf32>
    %reduce_sum3A_311 = arith.constant dense<0.000000e+00> : vector<512xf32>
    %reduce_sum3A_312 = vector.multi_reduction <add>, %select_n3A_310, %reduce_sum3A_311 [1] : vector<512x64xf32> to vector<512xf32>
    %broadcast_in_dim3A_313 = vector.shape_cast %reduce_sum3A_312 : vector<512xf32> to vector<512x1xf32>
    %eq3A_314 = arith.constant 7 : i32
    %eq3A_315 = vector.broadcast %eq3A_314 : i32 to vector<512x16xi32>
    %eq3A_316 = arith.cmpi eq, %iota3A_15, %eq3A_315 : vector<512x16xi32>
    %broadcast_in_dim3A_317 = vector.shape_cast %broadcast_in_dim3A_305 : vector<512x1xi32> to vector<512x1xi32>
    %broadcast_in_dim3A_318 = vector.broadcast %broadcast_in_dim3A_317 : vector<512x1xi32> to vector<512x16xi32>
    %select_n3A_319 = arith.select %eq3A_316, %broadcast_in_dim3A_318, %select_n3A_283 : vector<512x16xi1>, vector<512x16xi32>
    %eq3A_320 = arith.constant 7 : i32
    %eq3A_321 = vector.broadcast %eq3A_320 : i32 to vector<512x128xi32>
    %eq3A_322 = arith.cmpi eq, %select_n3A, %eq3A_321 : vector<512x128xi32>
    %broadcast_in_dim3A_323 = vector.shape_cast %broadcast_in_dim3A_313 : vector<512x1xf32> to vector<512x1xf32>
    %broadcast_in_dim3A_324 = vector.broadcast %broadcast_in_dim3A_323 : vector<512x1xf32> to vector<512x128xf32>
    %select_n3A_325 = arith.select %eq3A_322, %broadcast_in_dim3A_324, %select_n3A_289 : vector<512x128xi1>, vector<512x128xf32>
    %swap3A = arith.constant 0 : index
    %swap3A_326 = arith.constant 0 : index
    %swap3A_327 = vector.load %arg4[%swap3A, %swap3A_326] : memref<512x16xi32, #tpu.memory_space<vmem>>, vector<512x16xi32>
    tpu.vector_store %arg4[%swap3A, %swap3A_326], %select_n3A_319 {strides = array<i32>} : memref<512x16xi32, #tpu.memory_space<vmem>>, vector<512x16xi32>,
    %swap3A_328 = arith.constant 0 : index
    %swap3A_329 = arith.constant 0 : index
    %swap3A_330 = vector.load %arg5[%swap3A_328, %swap3A_329] : memref<512x128xf32, #tpu.memory_space<vmem>>, vector<512x128xf32>
    tpu.vector_store %arg5[%swap3A_328, %swap3A_329], %select_n3A_325 {strides = array<i32>} : memref<512x128xf32, #tpu.memory_space<vmem>>, vector<512x128xf32>,
    return
  }
  func.func @transform_0(%arg0: i32) -> (i32, i32) {
    %c0_i32 = arith.constant 0 : i32
    %c0_i32_0 = arith.constant 0 : i32
    return %arg0, %c0_i32 : i32, i32
  }
  func.func @transform_1(%arg0: i32) -> (i32, i32) {
    %c0_i32 = arith.constant 0 : i32
    %c0_i32_0 = arith.constant 0 : i32
    %c0_i32_1 = arith.constant 0 : i32
    return %c0_i32, %c0_i32_0 : i32, i32
  }
  func.func @transform_2(%arg0: i32) -> (i32, i32) {
    %c0_i32 = arith.constant 0 : i32
    %c0_i32_0 = arith.constant 0 : i32
    %c0_i32_1 = arith.constant 0 : i32
    return %c0_i32, %c0_i32_0 : i32, i32
  }
  func.func @transform_3(%arg0: i32) -> (i32, i32) {
    %c0_i32 = arith.constant 0 : i32
    %c0_i32_0 = arith.constant 0 : i32
    return %arg0, %c0_i32 : i32, i32
  }
  func.func @transform_4(%arg0: i32) -> (i32, i32) {
    %c0_i32 = arith.constant 0 : i32
    %c0_i32_0 = arith.constant 0 : i32
    return %arg0, %c0_i32 : i32, i32
  }
}

</mosaic_0001>

<sc_bundles>
// kernel: kernel.4.cloned.1.call-start
scs
__scs_entry_jumppad:
0x0: {  	(pc) =	sbr.rel $0x88, $3  }
0x1: {  	(tag) =	ssettag $0x0;
	lr =	simm.s32 $0x1  }
0x2: {  	[smem:$0x3F9D] =	sst lr;
	_ =	strace $0xD0000000  }
0x3: {  	_ = 	snop  }
0x4: {  	_ = 	snop  }
0x5: {  	_ = 	snop  }
0x6: {  	_ = 	snop  }
0x7: {  	_ = 	snop  }
__scs_overlays_trampoline_lowered:
0x8: {  	[smem:$0x3FAC] =	sst s0  }
0x9: {  	[smem:$0x3FAD] =	sst s1  }
0xa: {  	[smem:$0x3FAE] =	sst s2  }
0xb: {  	[smem:$0x3FAF] =	sst s3  }
0xc: {  	[smem:$0x3FB0] =	sst s4  }
0xd: {  	[smem:$0x3FB1] =	sst s5  }
0xe: {  	[smem:$0x3FB2] =	sst s6  }
0xf: {  	[smem:$0x3FB3] =	sst s7  }
0x10: {  	[smem:$0x3FB4] =	sst s8  }
0x11: {  	[smem:$0x3FB5] =	sst s9;
	s0 =	simm.s32 @!p0 $0x0  }
0x12: {  	s1 =	sld [smem:$0x3F9B];
	s0 =	simm.s32 @p0 $0x1  }
0x13: {  	[smem:$0x3FB6] =	sst s0;
	s0 =	simm.s32 @!p1 $0x0  }
0x14: {  	s2 =	sld [smem:$0x3F9A];
	s0 =	simm.s32 @p1 $0x1  }
0x15: {  	[smem:$0x3FB7] =	sst s0;
	s0 =	simm.s32 @!p2 $0x0  }
0x16: {  	s3 =	sld [smem:$0x3FDB];
	s0 =	simm.s32 @p2 $0x1  }
0x17: {  	s4 =	simm.s32 $0x1BF5;
	[smem:$0x3FB9] =	sst s0  }
0x18: {  	s0 =	sld [smem:$0x3F9C];
	_ =	swait.ge [sflag:s4], $0x0  }
0x19: {  	s7 =	sld [smem:$0x3F9D]  }
0x1a: {  	s8 =	sadd.s32 $0xFFFFE003, lr  }
0x1b: {  	s9 =	sadd.s32 $0xFFFFFEF7, lr;
	s5 =	simm.s32 $0xFFFFFFFF;
	p2 =	slt.u32 s8, $0xFFFFF086  }
0x1c: {  	p1 =	slt.u32 s9, $0xF7A;
	s5 =	simm.s32 @!p2 $0x0  }
0x1d: {  	s5 =	simm.s32 @p1 $0x1;
	p0 =	seq.s32 s7, s2  }
0x1e: {  	s7 =	smul.u32 @!p0 $0xF7A, s2;
	p2 =	seq.s32 @!p0 s5, $0x0  }
0x1f: {  	s9 =	smul.u32 $0xF7A, s1;
	s8 =	simm.s32 @!p0 $0x1BF5;
	p2 =	por !p2, p0  }
0x20: {  	[sflag:s8] =	ssyncset.s32 @!p0 $0xFFFFF086;
	s6 =	sadd.s32 @!p0 s3, s7;
	s7 =	simm.s32 @!p0 $0x108  }
0x21: {  	s3 =	sadd.s32 s3, s9;
	s6 =	sadd.s32 @!p0 $0x88, s6;
	s7 =	simm.s32 @p2 $0x1082  }
0x22: {  	[simem:s7], [sflag:s8] =	dma.local @!p0 [hbm:s6], $0xF7A  }
0x23: {  	s9 =	sor.u32 $0xD0000000, s2;
	s6 =	simm.s32 $0x108;
	_ =	swait.ge @!p0 [sflag:s8], $0x0  }
0x24: {  	s3 =	sadd.s32 $0x88, s3;
	s6 =	simm.s32 @!p1 $0x1082;
	[sflag:s4] =	ssyncset.s32 $0xFFFFF086  }
0x25: {  	[simem:s6], [sflag:s4] =	dma.local [hbm:s3], $0xF7A  }
0x26: {  	[smem:$0x3F9D] =	sst s1;
	(tag) =	ssettag s2;
	_ =	strace s9  }
0x27: {  	s1 =	sld [smem:$0x3FAD]  }
0x28: {  	s2 =	sld [smem:$0x3FAE]  }
0x29: {  	s4 =	sld [smem:$0x3FB0]  }
0x2a: {  	p0 =	seq.s32 s5, $0x0;
	s5 =	sld [smem:$0x3FB1]  }
0x2b: {  	s6 =	sld [smem:$0x3FB2]  }
0x2c: {  	s7 =	sld [smem:$0x3FB3]  }
0x2d: {  	s3 =	simm.s32 $0x108;
	s8 =	sld [smem:$0x3FB4]  }
0x2e: {  	s3 =	simm.s32 @!p0 $0x1082;
	s9 =	sld [smem:$0x3FB5]  }
0x2f: {  	lr =	sadd.s32 s0, s3;
	s0 =	sld [smem:$0x3FAC]  }
0x30: {  	s3 =	sld [smem:$0x3FAF]  }
0x31: {  	[smem:$0x3FB8] =	sst s10  }
0x32: {  	s10 =	sld [smem:$0x3FB6];
	_ =	sdelay $0x3  }
0x33: {  	p0 =	seq.s32 s10, $0x1;
	s10 =	sld [smem:$0x3FB8];
	_ =	sdelay $0x3  }
0x34: {  	[smem:$0x3FB8] =	sst s10  }
0x35: {  	s10 =	sld [smem:$0x3FB7];
	_ =	sdelay $0x3  }
0x36: {  	p1 =	seq.s32 s10, $0x1;
	s10 =	sld [smem:$0x3FB8];
	_ =	sdelay $0x3  }
0x37: {  	[smem:$0x3FB8] =	sst s10  }
0x38: {  	s10 =	sld [smem:$0x3FB9]  }
0x39: {  	_ = 	snop;
	(pc) =	sbr.ind lr, $3  }
0x3a: {  	_ = 	snop  }
0x3b: {  	_ = 	snop  }
0x3c: {  	p2 =	seq.s32 s10, $0x1;
	s10 =	sld [smem:$0x3FB8]  }
0x3d: {  	_ =	shalt  }
0x3e: {  	_ =	shalt  }
0x3f: {  	_ =	shalt  }
0x40: {  	_ =	shalt  }
0x41: {  	_ =	shalt  }
0x42: {  	_ =	shalt  }
0x43: {  	_ =	shalt  }
0x44: {  	_ =	shalt  }
0x45: {  	_ =	shalt  }
0x46: {  	_ =	shalt  }
0x47: {  	_ =	shalt  }
0x48: {  	_ =	shalt  }
0x49: {  	_ =	shalt  }
0x4a: {  	_ =	shalt  }
0x4b: {  	_ =	shalt  }
0x4c: {  	_ =	shalt  }
0x4d: {  	_ =	shalt  }
0x4e: {  	_ =	shalt  }
0x4f: {  	_ =	shalt  }
0x50: {  	_ =	shalt  }
0x51: {  	_ =	shalt  }
0x52: {  	_ =	shalt  }
0x53: {  	_ =	shalt  }
0x54: {  	_ =	shalt  }
0x55: {  	_ =	shalt  }
0x56: {  	_ =	shalt  }
0x57: {  	_ =	shalt  }
0x58: {  	_ =	shalt  }
0x59: {  	_ =	shalt  }
0x5a: {  	_ =	shalt  }
0x5b: {  	_ =	shalt  }
0x5c: {  	_ =	shalt  }
0x5d: {  	_ =	shalt  }
0x5e: {  	_ =	shalt  }
0x5f: {  	_ =	shalt  }
0x60: {  	_ =	shalt  }
0x61: {  	_ =	shalt  }
0x62: {  	_ =	shalt  }
0x63: {  	_ =	shalt  }
0x64: {  	_ =	shalt  }
0x65: {  	_ =	shalt  }
0x66: {  	_ =	shalt  }
0x67: {  	_ =	shalt  }
0x68: {  	_ =	shalt  }
0x69: {  	_ =	shalt  }
0x6a: {  	_ =	shalt  }
0x6b: {  	_ =	shalt  }
0x6c: {  	_ =	shalt  }
0x6d: {  	_ =	shalt  }
0x6e: {  	_ =	shalt  }
0x6f: {  	_ =	shalt  }
0x70: {  	_ =	shalt  }
0x71: {  	_ =	shalt  }
0x72: {  	_ =	shalt  }
0x73: {  	_ =	shalt  }
0x74: {  	_ =	shalt  }
0x75: {  	_ =	shalt  }
0x76: {  	_ =	shalt  }
0x77: {  	_ =	shalt  }
0x78: {  	_ =	shalt  }
0x79: {  	_ =	shalt  }
0x7a: {  	_ =	shalt  }
0x7b: {  	_ =	shalt  }
0x7c: {  	_ =	shalt  }
0x7d: {  	_ =	shalt  }
0x7e: {  	_ =	shalt  }
0x7f: {  	_ =	shalt  }
0x80: {  	_ =	shalt  }
0x81: {  	_ =	shalt  }
0x82: {  	_ =	shalt  }
0x83: {  	_ =	shalt  }
0x84: {  	_ =	shalt  }
0x85: {  	_ =	shalt  }
0x86: {  	_ =	shalt  }
0x87: {  	_ =	shalt  }
.Lfunc_end0:
.L_simem_size_0:
called_computation_lowered:
.L_overlay_start_0:
0x88: {  	s2 =	sld [smem:$0x3FD9]  }
0x89: {  	s3 =	sld [smem:$0x3FFE];
	_ =	sdelay $0x1  }
0x8a: {  	s1 =	srdreg.scid  }
0x8b: {  	s0 =	sand.u32 $0x1, s1  }
0x8c: {  	s17 =	sshll.u32 s0, $0xA;
	s2 =	sadd.s32 s3, s2  }
0x8d: {  	s2 =	sadd.s32 s2, s17  }
0x8e: {  	[smem:$0x3FC4] =	sst s2  }
0x8f: {  	_ = 	snop  }
0x90: {  	s2 =	sld [smem:$0x3FC8]  }
0x91: {  	s18 =	sld [smem:$0x3FD0];
	(tm) =	ssettm $0x1  }
0x92: {  	s4 =	sld [smem:$0x3FFB];
	_ =	sdelay $0x3  }
0x93: {  	_ =	strace s4  }
0x94: {  	s4 =	sld [smem:$0x3FFC];
	_ =	sdelay $0x3  }
0x95: {  	_ =	strace s4  }
0x96: {  	s4 =	sld [smem:$0x3FFD];
	_ =	sdelay $0x3  }
0x97: {  	_ =	strace s4  }
0x98: {  	_ =	strace $0x8FFFFFFF  }
0x99: {  	s19 =	sld [smem:$0x3FDB];
	_ =	sdelay $0x1  }
0x9a: {  	s5 =	simm.s32 $_scs_section_size  }
0x9b: {  	s6 =	simm.s32 $_size__tile_overlayer_lowered;
	s7 =	simm.s32 $_tile_overlayer_lowered  }
0x9c: {  	s22 =	simm.s32 $0x1BFF;
	s21 =	sshll.u32 s7, $0x1;
	s4 =	sadd.s32 s5, s19  }
0x9d: {  	s8 =	simm.s32 $0x0;
	s20 =	sshll.u32 s6, $0x1;
	s6 =	sadd.s32 s21, s4  }
0x9e: {  	[timem:s8], [sflag:s22] =	dma.local [hbm:s6], s20  }
0x9f: {  	_ =	swait.ge [sflag:s22], s20  }
0xa0: {  	s5 =	ssub.s32 $0x0, s20;
	[sflag:s22] =	ssyncset.done $0x0  }
0xa1: {  	[sflag:s22] =	ssyncadd.s32 s5;
	_ =	sdelay $0x1  }
0xa2: {  	s23 =	simm.s32 $0x1B8B  }
0xa3: {  	_ =	swait.ge [sflag:s23], $0x1  }
0xa4: {  	[sflag:s23] =	ssyncset.done $0x0  }
0xa5: {  	s25 =	simm.s32 $0x1B8E;
	s24 =	sld [smem:$0x3FFE];
	[sflag:s23] =	ssyncadd.s32 $0xFFFFFFFF  }
0xa6: {  	s26 =	simm.s32 $execute0_lowered;
	[smem:$0x3FD2] =	sst s25  }
0xa7: {  	s6 =	sshll.u32 s26, $0x1;
	_ =	strace $0x80000046;
	[dreg:$0x1] =	wrdreg $0xFFFFFFFF  }
0xa8: {  	s28 =	simm.s32 $_size_execute0_lowered;
	s4 =	sadd.s32 s4, s6;
	[dreg:$0x0] =	wrdreg $0x0  }
0xa9: {  	s6 =	sshll.u32 s28, $0x1;
	[dreg:$0x2] =	wrdreg s4  }
0xaa: {  	[dreg:$0x3] =	wrdreg s6  }
0xab: {  	[dreg:$0x4] =	wrdreg $0xC0  }
0xac: {  	_ =	task [dreg:s8], $0x5FFFF  }
0xad: {  	[dreg:$0x1] =	wrdreg $0xFFFFFFFF  }
0xae: {  	[dreg:$0x0] =	wrdreg $0x60  }
0xaf: {  	[dreg:$0x2] =	wrdreg s24  }
0xb0: {  	[dreg:$0x3] =	wrdreg s18  }
0xb1: {  	[dreg:$0x4] =	wrdreg s2  }
0xb2: {  	[dreg:$0x5] =	wrdreg $0x9  }
0xb3: {  	_ =	task.clear_ibuf [dreg:s8], $0x6FFFF;
	_ =	strace $0x90000046  }
0xb4: {  	s29 =	simm.s32 $0x9;
	_ =	strace $0x80000048  }
0xb5: {  	_ =	swait.ge [sflag:s29], $0x1  }
0xb6: {  	[sflag:s29] =	ssyncadd.s32 $0xFFFFFFFF  }
0xb7: {  	_ =	strace $0x90000048  }
0xb8: {  	_ =	sfence  }
0xb9: {  	s30 =	sld [smem:$0x0];
	_ =	sdelay $0x2  }
0xba: {  	s31 =	sshll.u32 s1, $0xD;
	s1 =	sshrl.u32 s1, $0x2  }
0xbb: {  	s3 =	sand.u32 $0x4000, s31;
	s1 =	sadd.s32 s1, s30  }
0xbc: {  	s0 =	sor.u32 s3, s0;
	s1 =	sshll.u32 s1, $0x11  }
0xbd: {  	s0 =	sor.u32 s1, s0  }
0xbe: {  	s0 =	sadd.s32 $0x8F2B, s0  }
0xbf: {  	[sflag:s0] =	ssyncadd.remote.s32 $0x1  }
0xc0: {  	_ =	sfence.sel $0xFFFF  }
0xc1: {  	[dreg:$0x0] =	wrdreg $0xFFFFFFFF;
	(pc) =	sbr.abs _section_cstart, $3  }
0xc2: {  	[dreg:$0x1] =	wrdreg $0xFFFFFFFF  }
0xc3: {  	_ =	task.clear_ibuf [dreg:s8], $0x2FFFF;
	_ =	strace $0x9FFFFFFF  }
0xc4: {  	(tm) =	ssettm $0x7FFFFFFF  }
0xc5: {  	_ =	shalt  }
tec
execute0_lowered:
.L_overlay_start_1:
0x0: {  	(tag) =	ssettag $0x1  }
0x1: {  	s0 =	rddreg [dreg:$0x0]  }
0x2: {  	s1 =	rddreg [dreg:$0x1]  }
0x3: {  	s20 =	rddreg [dreg:$0x2]  }
0x4: {  	s4 =	simm.s32 $0x0;
	s2 =	srdreg.scid;
	s3 =	stileid.u32  }
0x5: {  	s23 =	simm.s32 $0x2;
	s28 =	simm.s32 $0x1;
	s29 =	simm.s32 $0x0  }
0x6: {  	[smem:$0x7FF] =	sst s4;
	s2 =	sand.u32 $0x1, s2;
	s3 =	sshll.u32 s3, $0x1  }
0x7: {  	s6 =	sadd.s32 $0x100, s20;
	s7 =	sadd.s32 $0x200, s20;
	s8 =	sadd.s32 $0x300, s20  }
0x8: {  	s9 =	sadd.s32 $0x400, s20;
	s10 =	sadd.s32 $0x500, s20;
	s11 =	sadd.s32 $0x600, s20  }
0x9: {  	s12 =	sadd.s32 $0x700, s20;
	s13 =	sadd.s32 $0x800, s20;
	s14 =	sadd.s32 $0x900, s20  }
0xa: {  	s15 =	sadd.s32 $0xA00, s20;
	s16 =	sadd.s32 $0xB00, s20;
	s17 =	sadd.s32 $0xC00, s20  }
0xb: {  	s18 =	sadd.s32 $0xD00, s20;
	s19 =	sadd.s32 $0xE00, s20;
	s20 =	sadd.s32 $0xF00, s20  }
0xc: {  	_ =	strace $0x80000047;
	s3 =	sor.u32 s2, s3;
	s2 =	ssub.s32 $0x2, s2  }
0xd: {  	s26 =	sshll.u32 s3, $0x9;
	s5 =	sshll.u32 s3, $0x11;
	s3 =	sshll.u32 s3, $0xC  }
0xe: {  	s30 =	sshrl.u32 s2, $0x1;
	s4 =	sadd.s32 s26, s0;
	s1 =	sadd.s32 s1, s3  }
0xf: {  	v0 =	vlaneseq.u32;
	s2 =	ssub.s32 s2, s30;
	s4 =	sadd.s32 $0xA00, s4;
	[dreg:$0x5] =	wrdreg s1  }
0x10: {  	v1 =	vshrl.u32 v0, $0x3;
	s0 =	sadd.s32 s5, s0;
	s31 =	smax.u32 s2, $0x1;
	[dreg:$0x4] =	wrdreg s4  }
0x11: {  	vm0 =	vmmov $0xffff;
	v0 =	vand.u32 $0x7, v0;
	v1 =	vmul.u32 $0x8, v1;
	s21 =	sadd.s32 $0x4A00, s0;
	s1 =	simm.s32 $0x0;
	[dreg:$0x6] =	wrdreg s31  }
.LBB2_1:
0x12: {  	[dreg:$0x7] =	wrdreg s1  }
0x13: {  	s0 =	simm.s32 $0x0;
	s26 =	rddreg [dreg:$0x4]  }
0x14: {  	[tilespmem:s0], [sflag:$0x2] =	stream.linear.gather [hbm4b:s26+s0], $0x1000, $0x38;
	[tilespmem:$0x12000] =	vst v63  }
0x15: {  	_ =	swait.ge [sflag:s23], $0x1000  }
0x16: {  	[sflag:s23] =	ssyncset.done $0x0  }
0x17: {  	s2 =	simm.s32 $0x1000;
	s31 =	rddreg [dreg:$0x5];
	[sflag:s23] =	ssyncadd.s32 $0xFFFFF000  }
0x18: {  	[tilespmem:s2], [sflag:$0x2] =	stream.linear.gather [hbm4b:s31+s0], $0x8000, $0x38;
	[tilespmem:$0x12000] =	vst v63  }
0x19: {  	_ =	swait.ge [sflag:s23], $0x8000  }
0x1a: {  	[sflag:s23] =	ssyncset.done $0x0  }
0x1b: {  	s30 =	simm.s32 $0x0;
	[sflag:s23] =	ssyncadd.s32 $0xFFFF8000  }
.LBB2_2:
0x1c: {  	s0 =	sshll.u32 s30, $0x4  }
0x1d: {  	s0 =	sand.u32 $0x3FFFFFF0, s0  }
0x1e: {  	v2 =	vld.msk [tilespmem:s0+$0x0], $0xff;
	_ =	sdelay $0x4  }
0x1f: {  	v3 =	vshll.u32 v2, $0x5  }
0x20: {  	v2 =	vand.u32 $0x7, v2;
	v3 =	vand.u32 $0xFFFFFF00, v3  }
0x21: {  	v2 =	vor.u32 v2, v3  }
0x22: {  	v2 =	vperm.xlane v2, v0;
	_ =	sdelay $0x1  }
0x23: {  	v2 =	vadd.s32 v1, v2;
	_ =	sdelay $0x3  }
0x24: {  	s31 =	simm.s32 $0x0;
	s26 =	rddreg [dreg:$0x2];
	s1 =	simm.s32 $0x9000  }
0x25: {  	[tilespmem:s1], [sflag:$0x1] =	stream.indirect_vreg.gather [hbm4b:s26+s31], $0x80, v2, vm0, $0xb8;
	[tilespmem:$0x12000] =	vst v63  }
0x26: {  	s1 =	simm.s32 $0x9800  }
0x27: {  	[tilespmem:s1], [sflag:$0x1] =	stream.indirect_vreg.gather [hbm4b:s6+s31], $0x80, v2, vm0, $0xb8;
	[tilespmem:$0x12000] =	vst v63  }
0x28: {  	s2 =	simm.s32 $0xA000  }
0x29: {  	[tilespmem:s2], [sflag:$0x1] =	stream.indirect_vreg.gather [hbm4b:s7+s31], $0x80, v2, vm0, $0xb8;
	[tilespmem:$0x12000] =	vst v63  }
0x2a: {  	s3 =	simm.s32 $0xA800  }
0x2b: {  	[tilespmem:s3], [sflag:$0x1] =	stream.indirect_vreg.gather [hbm4b:s8+s31], $0x80, v2, vm0, $0xb8;
	[tilespmem:$0x12000] =	vst v63  }
0x2c: {  	s4 =	simm.s32 $0xB000  }
0x2d: {  	[tilespmem:s4], [sflag:$0x1] =	stream.indirect_vreg.gather [hbm4b:s9+s31], $0x80, v2, vm0, $0xb8;
	[tilespmem:$0x12000] =	vst v63  }
0x2e: {  	s5 =	simm.s32 $0xB800  }
0x2f: {  	[tilespmem:s5], [sflag:$0x1] =	stream.indirect_vreg.gather [hbm4b:s10+s31], $0x80, v2, vm0, $0xb8;
	[tilespmem:$0x12000] =	vst v63  }
0x30: {  	s22 =	simm.s32 $0xC000  }
0x31: {  	[tilespmem:s22], [sflag:$0x1] =	stream.indirect_vreg.gather [hbm4b:s11+s31], $0x80, v2, vm0, $0xb8;
	[tilespmem:$0x12000] =	vst v63  }
0x32: {  	s24 =	simm.s32 $0xC800  }
0x33: {  	[tilespmem:s24], [sflag:$0x1] =	stream.indirect_vreg.gather [hbm4b:s12+s31], $0x80, v2, vm0, $0xb8;
	[tilespmem:$0x12000] =	vst v63  }
0x34: {  	s25 =	simm.s32 $0xD000  }
0x35: {  	[tilespmem:s25], [sflag:$0x1] =	stream.indirect_vreg.gather [hbm4b:s13+s31], $0x80, v2, vm0, $0xb8;
	[tilespmem:$0x12000] =	vst v63  }
0x36: {  	s26 =	simm.s32 $0xD800  }
0x37: {  	[tilespmem:s26], [sflag:$0x1] =	stream.indirect_vreg.gather [hbm4b:s14+s31], $0x80, v2, vm0, $0xb8;
	[tilespmem:$0x12000] =	vst v63  }
0x38: {  	s1 =	simm.s32 $0xE000  }
0x39: {  	[tilespmem:s1], [sflag:$0x1] =	stream.indirect_vreg.gather [hbm4b:s15+s31], $0x80, v2, vm0, $0xb8;
	[tilespmem:$0x12000] =	vst v63  }
0x3a: {  	s2 =	simm.s32 $0xE800  }
0x3b: {  	[tilespmem:s2], [sflag:$0x1] =	stream.indirect_vreg.gather [hbm4b:s16+s31], $0x80, v2, vm0, $0xb8;
	[tilespmem:$0x12000] =	vst v63  }
0x3c: {  	s3 =	simm.s32 $0xF000  }
0x3d: {  	[tilespmem:s3], [sflag:$0x1] =	stream.indirect_vreg.gather [hbm4b:s17+s31], $0x80, v2, vm0, $0xb8;
	[tilespmem:$0x12000] =	vst v63  }
0x3e: {  	s4 =	simm.s32 $0xF800  }
0x3f: {  	[tilespmem:s4], [sflag:$0x1] =	stream.indirect_vreg.gather [hbm4b:s18+s31], $0x80, v2, vm0, $0xb8;
	[tilespmem:$0x12000] =	vst v63  }
0x40: {  	s5 =	simm.s32 $0x10000  }
0x41: {  	[tilespmem:s5], [sflag:$0x1] =	stream.indirect_vreg.gather [hbm4b:s19+s31], $0x80, v2, vm0, $0xb8;
	[tilespmem:$0x12000] =	vst v63  }
0x42: {  	s22 =	simm.s32 $0x10800  }
0x43: {  	[tilespmem:s22], [sflag:$0x1] =	stream.indirect_vreg.gather [hbm4b:s20+s31], $0x80, v2, vm0, $0xb8;
	[tilespmem:$0x12000] =	vst v63  }
0x44: {  	_ =	swait.ge [sflag:s28], $0x8000  }
0x45: {  	s0 =	sshll.u32 s30, $0x9;
	[sflag:s28] =	ssyncset.done $0x0  }
0x46: {  	s24 =	sand.u32 $0x7C00, s31;
	s3 =	sshrl.u32 s0, $0x2;
	[sflag:s28] =	ssyncadd.s32 $0xFFFF8000  }
0x47: {  	s1 =	sadd.s32 $0x9000, s24;
	s2 =	sand.u32 $0x40, s31;
	v2 =	vld [tilespmem:s3+$0x1000]  }
0x48: {  	s4 =	sor.u32 s2, s1;
	v3 =	vld [tilespmem:s3+$0x1010]  }
0x49: {  	v7 =	vld [tilespmem:s4+$0x0]  }
0x4a: {  	v8 =	vld [tilespmem:s4+$0x80]  }
0x4b: {  	v4 =	vld [tilespmem:s3+$0x1020]  }
0x4c: {  	v9 =	vld [tilespmem:s4+$0x100]  }
0x4d: {  	v5 =	vld [tilespmem:s3+$0x1030]  }
0x4e: {  	v10 =	vld [tilespmem:s4+$0x180]  }
0x4f: {  	v6 =	vld [tilespmem:s3+$0x1040];
	v11 =	vmul.f32 v7, v2;
	v8 =	vmul.f32 v8, v3  }
0x50: {  	v12 =	vld [tilespmem:s4+$0x200]  }
0x51: {  	v13 =	vld [tilespmem:s4+$0x280];
	v9 =	vmul.f32 v9, v4;
	v11 =	vadd.f32 v8, v11  }
0x52: {  	v7 =	vld [tilespmem:s3+$0x1050]  }
0x53: {  	v14 =	vld [tilespmem:s4+$0x300];
	v10 =	vmul.f32 v10, v5;
	v11 =	vadd.f32 v9, v11  }
0x54: {  	v8 =	vld [tilespmem:s3+$0x1060]  }
0x55: {  	v9 =	vld [tilespmem:s3+$0x1070];
	v10 =	vadd.f32 v10, v11;
	v11 =	vmul.f32 v12, v6  }
0x56: {  	v12 =	vld [tilespmem:s4+$0x380]  }
0x57: {  	v10 =	vadd.f32 v11, v10;
	v11 =	vmul.f32 v13, v7;
	_ =	sdelay $0x1  }
0x58: {  	v10 =	vadd.f32 v11, v10;
	v11 =	vmul.f32 v14, v8;
	_ =	sdelay $0x1  }
0x59: {  	v10 =	vadd.f32 v11, v10;
	v11 =	vmul.f32 v12, v9;
	_ =	sdelay $0x1  }
0x5a: {  	v10 =	vadd.f32 v11, v10  }
0x5b: {  	s25 =	simm.s32 $0x11000;
	s26 =	sor.u32 $0x10, s2  }
0x5c: {  	s5 =	sor.u32 s26, s1;
	[tilespmem:s25+$0x0] =	vst v10  }
0x5d: {  	v10 =	vld [tilespmem:s5+$0x0]  }
0x5e: {  	v11 =	vld [tilespmem:s5+$0x80];
	_ =	sdelay $0x1  }
0x5f: {  	v12 =	vld [tilespmem:s5+$0x100];
	_ =	sdelay $0x1  }
0x60: {  	v13 =	vld [tilespmem:s5+$0x180]  }
0x61: {  	v10 =	vmul.f32 v10, v2;
	v11 =	vmul.f32 v11, v3  }
0x62: {  	v14 =	vld [tilespmem:s5+$0x200]  }
0x63: {  	v10 =	vadd.f32 v11, v10;
	v11 =	vmul.f32 v12, v4  }
0x64: {  	v12 =	vld [tilespmem:s5+$0x280]  }
0x65: {  	v10 =	vadd.f32 v11, v10;
	v11 =	vmul.f32 v13, v5  }
0x66: {  	v13 =	vld [tilespmem:s5+$0x300]  }
0x67: {  	v10 =	vadd.f32 v11, v10;
	v11 =	vmul.f32 v14, v6  }
0x68: {  	v14 =	vld [tilespmem:s5+$0x380]  }
0x69: {  	v10 =	vadd.f32 v11, v10;
	v11 =	vmul.f32 v12, v7;
	_ =	sdelay $0x1  }
0x6a: {  	v10 =	vadd.f32 v11, v10;
	v11 =	vmul.f32 v13, v8;
	_ =	sdelay $0x1  }
0x6b: {  	v10 =	vadd.f32 v11, v10;
	v11 =	vmul.f32 v14, v9  }
0x6c: {  	s22 =	sand.u32 $0xF80, s31  }
0x6d: {  	s5 =	sor.u32 $0x11000, s22;
	v10 =	vadd.f32 v11, v10  }
0x6e: {  	s24 =	sor.u32 $0x20, s2;
	s4 =	sor.u32 s26, s5  }
0x6f: {  	s25 =	sor.u32 s24, s1;
	[tilespmem:s4+$0x0] =	vst v10  }
0x70: {  	v10 =	vld [tilespmem:s25+$0x0]  }
0x71: {  	v11 =	vld [tilespmem:s25+$0x80];
	_ =	sdelay $0x1  }
0x72: {  	v12 =	vld [tilespmem:s25+$0x100];
	_ =	sdelay $0x1  }
0x73: {  	v13 =	vld [tilespmem:s25+$0x180]  }
0x74: {  	v10 =	vmul.f32 v10, v2;
	v11 =	vmul.f32 v11, v3  }
0x75: {  	v14 =	vld [tilespmem:s25+$0x200]  }
0x76: {  	v10 =	vadd.f32 v11, v10;
	v11 =	vmul.f32 v12, v4  }
0x77: {  	v12 =	vld [tilespmem:s25+$0x280]  }
0x78: {  	v10 =	vadd.f32 v11, v10;
	v11 =	vmul.f32 v13, v5  }
0x79: {  	v13 =	vld [tilespmem:s25+$0x300]  }
0x7a: {  	v10 =	vadd.f32 v11, v10;
	v11 =	vmul.f32 v14, v6  }
0x7b: {  	v14 =	vld [tilespmem:s25+$0x380]  }
0x7c: {  	v10 =	vadd.f32 v11, v10;
	v11 =	vmul.f32 v12, v7;
	_ =	sdelay $0x1  }
0x7d: {  	v10 =	vadd.f32 v11, v10;
	v11 =	vmul.f32 v13, v8;
	_ =	sdelay $0x1  }
0x7e: {  	v10 =	vadd.f32 v11, v10;
	v11 =	vmul.f32 v14, v9;
	_ =	sdelay $0x1  }
0x7f: {  	v10 =	vadd.f32 v11, v10  }
0x80: {  	s3 =	sor.u32 $0x30, s2;
	s26 =	sor.u32 s24, s5  }
0x81: {  	s1 =	sor.u32 s3, s1;
	[tilespmem:s26+$0x0] =	vst v10  }
0x82: {  	v10 =	vld [tilespmem:s1+$0x0]  }
0x83: {  	v11 =	vld [tilespmem:s1+$0x80];
	_ =	sdelay $0x1  }
0x84: {  	v12 =	vld [tilespmem:s1+$0x100];
	_ =	sdelay $0x1  }
0x85: {  	v13 =	vld [tilespmem:s1+$0x180]  }
0x86: {  	v10 =	vmul.f32 v10, v2;
	v11 =	vmul.f32 v11, v3  }
0x87: {  	v14 =	vld [tilespmem:s1+$0x200]  }
0x88: {  	v12 =	vmul.f32 v12, v4;
	v10 =	vadd.f32 v11, v10  }
0x89: {  	v11 =	vld [tilespmem:s1+$0x280]  }
0x8a: {  	v15 =	vld [tilespmem:s1+$0x300];
	v13 =	vmul.f32 v13, v5;
	v10 =	vadd.f32 v12, v10  }
0x8b: {  	v12 =	vld [tilespmem:s1+$0x380]  }
0x8c: {  	v14 =	vmul.f32 v14, v6;
	v10 =	vadd.f32 v13, v10;
	_ =	sdelay $0x1  }
0x8d: {  	v13 =	vmul.f32 v11, v7;
	v14 =	vadd.f32 v14, v10;
	_ =	sdelay $0x1  }
0x8e: {  	s24 =	simm.s32 $0x11040;
	s4 =	simm.s32 $0x0;
	s1 =	simm.s32 $0x0;
	v11 =	vmul.f32 v15, v8;
	v10 =	vmul.f32 v12, v9;
	v12 =	vadd.f32 v13, v14  }
.LBB2_3:
0x8f: {  	s1 =	sadd.s32 $0x4, s1;
	s31 =	sadd.s32 $0x200, s31;
	s4 =	sadd.s32 $0x40, s4  }
0x90: {  	p0 =	slt.u32 s1, $0xFC;
	v11 =	vadd.f32 v11, v12  }
0x91: {  	s22 =	sand.u32 $0x7C00, s31  }
0x92: {  	s5 =	sor.u32 s3, s5;
	s2 =	sand.u32 $0x40, s4;
	s22 =	sadd.s32 $0x9000, s22;
	v10 =	vadd.f32 v10, v11  }
0x93: {  	s25 =	sor.u32 $0x10, s2;
	s3 =	sor.u32 $0x20, s2;
	s26 =	sor.u32 s2, s22  }
0x94: {  	[tilespmem:s5+$0x0] =	vst v10  }
0x95: {  	v10 =	vld [tilespmem:s26+$0x0]  }
0x96: {  	v11 =	vld [tilespmem:s26+$0x80];
	_ =	sdelay $0x1  }
0x97: {  	v12 =	vld [tilespmem:s26+$0x100];
	_ =	sdelay $0x1  }
0x98: {  	v13 =	vld [tilespmem:s26+$0x180]  }
0x99: {  	v10 =	vmul.f32 v10, v2;
	v11 =	vmul.f32 v11, v3  }
0x9a: {  	v14 =	vld [tilespmem:s26+$0x200]  }
0x9b: {  	v10 =	vadd.f32 v11, v10;
	v11 =	vmul.f32 v12, v4  }
0x9c: {  	v12 =	vld [tilespmem:s26+$0x280]  }
0x9d: {  	v10 =	vadd.f32 v11, v10;
	v11 =	vmul.f32 v13, v5  }
0x9e: {  	v13 =	vld [tilespmem:s26+$0x300]  }
0x9f: {  	v10 =	vadd.f32 v11, v10;
	v11 =	vmul.f32 v14, v6  }
0xa0: {  	v14 =	vld [tilespmem:s26+$0x380]  }
0xa1: {  	v10 =	vadd.f32 v11, v10;
	v11 =	vmul.f32 v12, v7;
	_ =	sdelay $0x1  }
0xa2: {  	v10 =	vadd.f32 v11, v10;
	v11 =	vmul.f32 v13, v8;
	_ =	sdelay $0x1  }
0xa3: {  	v10 =	vadd.f32 v11, v10;
	v11 =	vmul.f32 v14, v9;
	_ =	sdelay $0x1  }
0xa4: {  	v10 =	vadd.f32 v11, v10;
	_ =	sdelay $0x1  }
0xa5: {  	s5 =	sor.u32 s25, s22;
	[tilespmem:s24+$0x0] =	vst v10  }
0xa6: {  	v10 =	vld [tilespmem:s5+$0x0]  }
0xa7: {  	v11 =	vld [tilespmem:s5+$0x80];
	_ =	sdelay $0x1  }
0xa8: {  	v12 =	vld [tilespmem:s5+$0x100];
	_ =	sdelay $0x1  }
0xa9: {  	v13 =	vld [tilespmem:s5+$0x180]  }
0xaa: {  	v10 =	vmul.f32 v10, v2;
	v11 =	vmul.f32 v11, v3  }
0xab: {  	v14 =	vld [tilespmem:s5+$0x200]  }
0xac: {  	v10 =	vadd.f32 v11, v10;
	v11 =	vmul.f32 v12, v4  }
0xad: {  	v12 =	vld [tilespmem:s5+$0x280]  }
0xae: {  	v10 =	vadd.f32 v11, v10;
	v11 =	vmul.f32 v13, v5  }
0xaf: {  	v13 =	vld [tilespmem:s5+$0x300]  }
0xb0: {  	v10 =	vadd.f32 v11, v10;
	v11 =	vmul.f32 v14, v6  }
0xb1: {  	v14 =	vld [tilespmem:s5+$0x380]  }
0xb2: {  	v10 =	vadd.f32 v11, v10;
	v11 =	vmul.f32 v12, v7;
	_ =	sdelay $0x1  }
0xb3: {  	v10 =	vadd.f32 v11, v10;
	v11 =	vmul.f32 v13, v8;
	_ =	sdelay $0x1  }
0xb4: {  	v10 =	vadd.f32 v11, v10;
	v11 =	vmul.f32 v14, v9  }
0xb5: {  	s5 =	sand.u32 $0xF80, s4  }
0xb6: {  	s5 =	sor.u32 $0x11000, s5;
	v10 =	vadd.f32 v11, v10  }
0xb7: {  	s25 =	sor.u32 s25, s5;
	s26 =	sor.u32 s3, s5  }
0xb8: {  	s3 =	sor.u32 s3, s22;
	[tilespmem:s25+$0x0] =	vst v10  }
0xb9: {  	v10 =	vld [tilespmem:s3+$0x0]  }
0xba: {  	v11 =	vld [tilespmem:s3+$0x80];
	_ =	sdelay $0x1  }
0xbb: {  	v12 =	vld [tilespmem:s3+$0x100];
	_ =	sdelay $0x1  }
0xbc: {  	v10 =	vmul.f32 v10, v2;
	v13 =	vld [tilespmem:s3+$0x180]  }
0xbd: {  	v11 =	vmul.f32 v11, v3  }
0xbe: {  	v14 =	vld [tilespmem:s3+$0x200]  }
0xbf: {  	v10 =	vadd.f32 v11, v10;
	v11 =	vmul.f32 v12, v4  }
0xc0: {  	v12 =	vld [tilespmem:s3+$0x280]  }
0xc1: {  	v10 =	vadd.f32 v11, v10;
	v11 =	vmul.f32 v13, v5  }
0xc2: {  	v13 =	vld [tilespmem:s3+$0x300]  }
0xc3: {  	v10 =	vadd.f32 v11, v10;
	v11 =	vmul.f32 v14, v6  }
0xc4: {  	v14 =	vld [tilespmem:s3+$0x380]  }
0xc5: {  	v10 =	vadd.f32 v11, v10;
	v11 =	vmul.f32 v12, v7;
	_ =	sdelay $0x1  }
0xc6: {  	v10 =	vadd.f32 v11, v10;
	v11 =	vmul.f32 v13, v8;
	_ =	sdelay $0x1  }
0xc7: {  	v10 =	vadd.f32 v11, v10;
	v11 =	vmul.f32 v14, v9;
	_ =	sdelay $0x1  }
0xc8: {  	v10 =	vadd.f32 v11, v10  }
0xc9: {  	s3 =	sor.u32 $0x30, s2  }
0xca: {  	s2 =	sor.u32 s3, s22;
	[tilespmem:s26+$0x0] =	vst v10  }
0xcb: {  	v10 =	vld [tilespmem:s2+$0x0]  }
0xcc: {  	v11 =	vld [tilespmem:s2+$0x80]  }
0xcd: {  	v12 =	vld [tilespmem:s2+$0x100]  }
0xce: {  	v13 =	vld [tilespmem:s2+$0x180]  }
0xcf: {  	v14 =	vld [tilespmem:s2+$0x200]  }
0xd0: {  	v10 =	vmul.f32 v10, v2;
	v15 =	vld [tilespmem:s2+$0x280]  }
0xd1: {  	v11 =	vmul.f32 v11, v3;
	v16 =	vld [tilespmem:s2+$0x300]  }
0xd2: {  	v12 =	vmul.f32 v12, v4;
	v17 =	vld [tilespmem:s2+$0x380]  }
0xd3: {  	v10 =	vadd.f32 v11, v10  }
0xd4: {  	v11 =	vmul.f32 v13, v5  }
0xd5: {  	v10 =	vadd.f32 v12, v10  }
0xd6: {  	v12 =	vmul.f32 v14, v6  }
.Ltmp0:
0xd7: {  	v11 =	vadd.f32 v11, v10;
	v10 =	vmul.f32 v17, v9;
	(pc) =	sbr.rel @p0 .LBB2_3-.Ltmp0, $4  }
0xd8: {  	v13 =	vmul.f32 v15, v7  }
0xd9: {  	v12 =	vadd.f32 v12, v11  }
0xda: {  	v11 =	vmul.f32 v16, v8  }
0xdb: {  	s24 =	sadd.s32 $0x40, s24;
	v12 =	vadd.f32 v13, v12  }
0xdc: {  	_ = 	snop  }
0xdd: {  	v2 =	vadd.f32 v11, v12;
	_ =	sdelay $0x1  }
0xde: {  	s30 =	sadd.s32 $0x1, s30;
	v2 =	vadd.f32 v10, v2  }
0xdf: {  	s1 =	sor.u32 s3, s5;
	p0 =	sne.s32 s30, $0x100  }
.Ltmp1:
0xe0: {  	s0 =	sadd.s32 s0, s21;
	s31 =	simm.s32 $0x11000;
	[tilespmem:s1+$0x0] =	vst v2;
	(pc) =	sbr.rel @p0 .LBB2_2-.Ltmp1, $4  }
0xe1: {  	[hbm4b:s0+s29] =	stream.linear.scatter [tilespmem:s31], [sflag:$0x2], $0x1000, $0x38;
	[tilespmem:$0x12000] =	vst v63  }
0xe2: {  	_ =	swait.ge [sflag:s23], $0x1000  }
0xe3: {  	[sflag:s23] =	ssyncset.done $0x0  }
0xe4: {  	[sflag:s23] =	ssyncadd.s32 $0xFFFFF000  }
0xe5: {  	s1 =	rddreg [dreg:$0x7]  }
0xe6: {  	s0 =	rddreg [dreg:$0x6];
	s1 =	sadd.s32 $0x1, s1  }
0xe7: {  	p0 =	sne.s32 s1, s0  }
.Ltmp2:
0xe8: {  	_ = 	snop;
	(pc) =	sbr.rel @p0 .LBB2_1-.Ltmp2, $1  }
0xe9: {  	_ =	sdelay $0x3  }
0xea: {  	_ =	sfence.sel $0x180000  }
0xeb: {  	[bflag:$0x0] =	sbarrier.arrive $0xFFFF  }
0xec: {  	_ =	strace $0x90000047  }
0xed: {  	s0 =	stileid.u32;
	[bflag:$0x2] =	sbarrier.arrive $0xFFFF  }
0xee: {  	p0 =	sne.s32 s0, $0x0;
	s0 =	rddreg [dreg:$0x3]  }
0xef: {  	s0 =	sadd.s32 @!p0 $0x100000, s0  }
0xf0: {  	[sflag:s0] =	ssyncadd.tile.s32 @!p0 $0x1;
	_ =	shalt  }
.Lfunc_end2:
_tile_overlayer_lowered:
.L_overlay_start_2:
0xf1: {  	(tag) =	ssettag $0x2  }
0xf2: {  	s0 =	rddreg [dreg:$0x0];
	s2 =	stileid.u32  }
0xf3: {  	s1 =	rddreg [dreg:$0x1];
	p0 =	sne.s32 s2, $0x0  }
0xf4: {  	s3 =	rddreg [dreg:$0x2];
	[bflag:$0x3] =	sbarrier.arrive $0xFFFF;
	s2 =	simm.s32 @!p0 $0x1C02  }
0xf5: {  	[timem:s3], [sflag:s2] =	dma.local @!p0 [hbm:s0], s1  }
0xf6: {  	s0 =	simm.s32 @!p0 $0x2  }
0xf7: {  	_ =	swait.ge @!p0 [sflag:s0], s1  }
0xf8: {  	s1 =	ssub.s32 @!p0 $0x0, s1;
	[sflag:s0] =	ssyncset.done @!p0 $0x0  }
0xf9: {  	[sflag:s0] =	ssyncadd.s32 @!p0 s1  }
0xfa: {  	[bflag:$0x3] =	sbarrier.arrive $0xFFFF  }
0xfb: {  	_ =	shalt  }

</sc_bundles>
